<compile_context>
chip_gen: v7x
topology: tpu7x:2x2x1
jax: 0.10.2.dev20260603
libtpu: 0.0.44.dev20260713+nightly
codegen_flags: <defaults>
</compile_context>

<pallas_src>
import functools

import jax
import jax.numpy as jnp
from jax import lax
from jax.experimental import pallas as pl
from jax.experimental.pallas import tpu as pltpu
from jax.experimental.pallas import tpu_sc as plsc

_NC = 2
_NS = 16
_L = 16
_UNROLL = 8


def _prep(x, ei, w1, b1, w2, b2, e_pad):
    n, d = x.shape
    grid = 5
    eblk = e_pad // grid
    nblk = 2048
    n_pad = grid * nblk
    assert grid * eblk == e_pad and n_pad >= n

    def mk(x_ref, ei_ref, w1_ref, b1_ref, w2_ref, b2_ref,
           m_ref, s_ref, d_ref, w1a_ref, w2a_ref):
        b = ei_ref[...]
        s_ref[...] = b[0:1, :]
        d_ref[...] = b[1:2, :]
        ones_d = jnp.ones((1, d), jnp.float32)
        m_ref[...] = lax.dot_general(
            ones_d, x_ref[...], (((1,), (1,)), ((), ())),
            preferred_element_type=jnp.float32) * (1.0 / d)
        w1a_ref[...] = jnp.concatenate(
            [w1_ref[...], b1_ref[...].reshape(1, -1)], axis=0)
        w2a_ref[...] = jnp.concatenate(
            [w2_ref[...], b2_ref[...].reshape(1, 1)], axis=1)

    return pl.pallas_call(
        mk,
        grid=(grid,),
        in_specs=[
            pl.BlockSpec((nblk, d), lambda i: (i, 0)),
            pl.BlockSpec((2, eblk), lambda i: (0, i)),
            pl.BlockSpec(w1.shape, lambda i: (0, 0)),
            pl.BlockSpec(b1.shape, lambda i: (0,)),
            pl.BlockSpec(w2.shape, lambda i: (0, 0)),
            pl.BlockSpec(b2.shape, lambda i: (0,)),
        ],
        out_specs=(pl.BlockSpec((1, nblk), lambda i: (0, i)),
                   pl.BlockSpec((1, eblk), lambda i: (0, i)),
                   pl.BlockSpec((1, eblk), lambda i: (0, i)),
                   pl.BlockSpec((5, 32), lambda i: (0, 0)),
                   pl.BlockSpec((1, 33), lambda i: (0, 0))),
        out_shape=(jax.ShapeDtypeStruct((1, n_pad), jnp.float32),
                   jax.ShapeDtypeStruct((1, e_pad), jnp.int32),
                   jax.ShapeDtypeStruct((1, e_pad), jnp.int32),
                   jax.ShapeDtypeStruct((5, 32), jnp.float32),
                   jax.ShapeDtypeStruct((1, 33), jnp.float32)),
        compiler_params=pltpu.CompilerParams(
            dimension_semantics=("parallel",)),
    )(x, ei, w1, b1, w2, b2)


def _sc_hd_aa(m, areas, src, dst, n):
    e = src.shape[1]
    n_pad = m.shape[1]
    nw = _NC * _NS
    n_per = e // nw
    ch = 2560
    n_chunks = n_per // ch
    assert n_per * nw == e and n_chunks * ch == n_per
    assert ch % (_L * _UNROLL) == 0

    mesh = plsc.VectorSubcoreMesh(core_axis_name="c", subcore_axis_name="s")

    @functools.partial(
        pl.kernel,
        mesh=mesh,
        compiler_params=pltpu.CompilerParams(needs_layout_passes=False),
        out_type=(
            jax.ShapeDtypeStruct((e,), jnp.float32),
            jax.ShapeDtypeStruct((e,), jnp.float32),
        ),
        scratch_types=[
            pltpu.VMEM((1, n_pad), jnp.float32),
            pltpu.VMEM((n,), jnp.float32),
            pltpu.VMEM((ch,), jnp.int32),
            pltpu.VMEM((ch,), jnp.int32),
            pltpu.VMEM((ch,), jnp.int32),
            pltpu.VMEM((ch,), jnp.int32),
            pltpu.VMEM((ch,), jnp.float32),
            pltpu.VMEM((ch,), jnp.float32),
            pltpu.VMEM((ch,), jnp.float32),
            pltpu.VMEM((ch,), jnp.float32),
            pltpu.SemaphoreType.DMA,
            pltpu.SemaphoreType.DMA,
            pltpu.SemaphoreType.DMA,
            pltpu.SemaphoreType.DMA,
        ],
    )
    def k(m_hbm, a_hbm, src_hbm, dst_hbm, hd_hbm, aa_hbm,
          m_v, a_v, s0, s1, d0, d1, h0, h1, a0, a1,
          sin0, sin1, sout0, sout1):
        wid = lax.axis_index("s") * _NC + lax.axis_index("c")
        base = wid * n_per
        pltpu.sync_copy(m_hbm, m_v)
        pltpu.sync_copy(a_hbm, a_v)
        sbufs, dbufs = (s0, s1), (d0, d1)
        hbufs, abufs = (h0, h1), (a0, a1)
        sins, souts = (sin0, sin1), (sout0, sout1)

        def cb_of(c):
            return pl.multiple_of(base + c * ch, 128)

        def start_in(c):
            b = c % 2
            pltpu.async_copy(src_hbm.at[0, pl.ds(cb_of(c), ch)], sbufs[b], sins[b])
            pltpu.async_copy(dst_hbm.at[0, pl.ds(cb_of(c), ch)], dbufs[b], sins[b])

        start_in(0)
        out_handles = [None, None]
        for c in range(n_chunks):
            b = c % 2
            if c + 1 < n_chunks:
                start_in(c + 1)
            pltpu.make_async_copy(
                src_hbm.at[0, pl.ds(cb_of(c), ch)], sbufs[b], sins[b]).wait()
            pltpu.make_async_copy(
                dst_hbm.at[0, pl.ds(cb_of(c), ch)], dbufs[b], sins[b]).wait()
            if out_handles[b] is not None:
                for hnd in out_handles[b]:
                    hnd.wait()
            src_v, dst_v = sbufs[b], dbufs[b]
            hd_v, aa_v = hbufs[b], abufs[b]

            zero = jnp.zeros((_L,), jnp.int32)

            @plsc.parallel_loop(0, ch, step=_L, unroll=_UNROLL)
            def vec_body(o):
                s = jnp.minimum(jnp.maximum(src_v[pl.ds(o, _L)], 0), n - 1)
                d = jnp.minimum(jnp.maximum(dst_v[pl.ds(o, _L)], 0), n - 1)
                ms = plsc.load_gather(m_v, [zero, s])
                md = plsc.load_gather(m_v, [zero, d])
                sa = plsc.load_gather(a_v, [s])
                da = plsc.load_gather(a_v, [d])
                hd_v[pl.ds(o, _L)] = ms - md
                aa_v[pl.ds(o, _L)] = 2.0 * sa * da / (sa + da + 1e-8)

            out_handles[b] = (
                pltpu.async_copy(hd_v, hd_hbm.at[pl.ds(cb_of(c), ch)], souts[b]),
                pltpu.async_copy(aa_v, aa_hbm.at[pl.ds(cb_of(c), ch)], souts[b]),
            )
        for hs in out_handles:
            if hs is not None:
                for hnd in hs:
                    hnd.wait()

    return k(m, areas, src, dst)


def _mlp(hd, aa, ea_t, w1a, w2a):
    e = ea_t.shape[1]
    blk = 65536
    grid = -(-e // blk)

    def mk(hd_ref, aa_ref, ea_ref, w1a_ref, w2a_ref, o_ref):
        hdb = hd_ref[...].reshape(1, blk)
        aab = aa_ref[...].reshape(1, blk)
        eab = ea_ref[...]
        ones = jnp.ones((1, blk), jnp.float32)
        fb = jnp.concatenate([hdb, eab[0:1, :], eab[1:2, :], aab, ones], axis=0)
        h = lax.dot_general(w1a_ref[...], fb, (((0,), (0,)), ((), ())),
                            preferred_element_type=jnp.float32)
        h = jnp.maximum(h, 0.0)
        ha = jnp.concatenate([h, ones], axis=0)
        o_ref[...] = lax.dot_general(w2a_ref[...], ha, (((1,), (0,)), ((), ())),
                                     preferred_element_type=jnp.float32)

    return pl.pallas_call(
        mk,
        grid=(grid,),
        in_specs=[
            pl.BlockSpec((blk,), lambda i: (i,)),
            pl.BlockSpec((blk,), lambda i: (i,)),
            pl.BlockSpec((4, blk), lambda i: (0, i)),
            pl.BlockSpec((5, 32), lambda i: (0, 0)),
            pl.BlockSpec((1, 33), lambda i: (0, 0)),
        ],
        out_specs=pl.BlockSpec((1, blk), lambda i: (0, i)),
        out_shape=jax.ShapeDtypeStruct((1, e), jnp.float32),
        compiler_params=pltpu.CompilerParams(
            dimension_semantics=("parallel",)),
    )(hd, aa, ea_t, w1a, w2a)


def kernel(x, edge_index, edge_attr, node_areas, W1, b1, W2, b2):
    e = edge_index.shape[1]
    n = x.shape[0]
    e_pad = -(-e // 65536) * 65536
    m, src, dst, w1a, w2a = _prep(
        x.astype(jnp.float32), edge_index.astype(jnp.int32),
        W1.astype(jnp.float32), b1.astype(jnp.float32),
        W2.astype(jnp.float32).reshape(1, -1),
        b2.astype(jnp.float32), e_pad)
    hd, aa = _sc_hd_aa(m, node_areas.astype(jnp.float32), src, dst, n)
    out = _mlp(hd, aa, edge_attr.astype(jnp.float32).T, w1a, w2a)
    return out.reshape(e, 1)

# --- scband reference (transcript-rebuilt; emitter-appended) ---
"""Pipeline reference for scband-flux-layer-24017457119606 (READ-ONLY COPY).

The authoritative reference and input builder live on the scoring server;
editing this copy changes nothing except your own understanding.
"""

import jax, jax.numpy as jnp
import numpy as np


def setup_inputs(seed: int = 0) -> dict:
    key = jax.random.key(seed)
    k_x, k_ei, k_ea, k_na, k_w1, k_b1, k_w2, k_b2 = jax.random.split(key, 8)
    n_nodes = 10000
    n_edges = 320000
    d_feat = 128
    d_edge = 4
    x = jax.random.normal(k_x, (n_nodes, d_feat), dtype=jnp.float32)
    edge_index = jax.random.randint(k_ei, (2, n_edges), 0, n_nodes, dtype=jnp.int64)
    edge_attr = jax.random.uniform(k_ea, (n_edges, d_edge), dtype=jnp.float32)
    node_areas = jax.random.uniform(k_na, (n_nodes,), dtype=jnp.float32)
    # flux_mlp params: Linear(4, 32) -> ReLU -> Linear(32, 1)
    W1 = jax.random.normal(k_w1, (4, 32), dtype=jnp.float32) * (1.0 / np.sqrt(4))
    b1 = jnp.zeros((32,), dtype=jnp.float32)
    W2 = jax.random.normal(k_w2, (32, 1), dtype=jnp.float32) * (1.0 / np.sqrt(32))
    b2 = jnp.zeros((1,), dtype=jnp.float32)
    return {"x": x, "edge_index": edge_index, "edge_attr": edge_attr,
            "node_areas": node_areas, "W1": W1, "b1": b1, "W2": W2, "b2": b2}


def reference(x, edge_index, edge_attr, node_areas, W1, b1, W2, b2):
    slope_idx = 0
    length_idx = 1
    flux_scale = 1.0
    src = edge_index[0]
    dst = edge_index[1]
    x_src = jnp.take(x, src, axis=0)
    x_dst = jnp.take(x, dst, axis=0)
    h_diff = (x_src - x_dst).mean(axis=1, keepdims=True)
    slope = edge_attr[:, slope_idx:slope_idx + 1]
    length = edge_attr[:, length_idx:length_idx + 1]
    src_area = jnp.take(node_areas, src, axis=0)[:, None]
    dst_area = jnp.take(node_areas, dst, axis=0)[:, None]
    avg_area = 2.0 * src_area * dst_area / (src_area + dst_area + 1e-08)
    flux_input = jnp.concatenate([h_diff, slope, length, avg_area], axis=1)
    h = jnp.maximum(flux_input @ W1 + b1, 0.0)
    flux = (h @ W2 + b2) * flux_scale
    # flux_constraint == 'none': no clamping
    return flux

if __name__ == "__main__":
    import jax
    _d = setup_inputs()
    print(jax.jit(kernel)(*tuple(_d.values())))

</pallas_src>

<mosaic_0001>
#map = affine_map<(d0, d1) -> (0, 0)>
#map1 = affine_map<(d0, d1) -> (0)>
module attributes {stable_mosaic.version = 14 : i64} {
  func.func @k(%arg0: i32, %arg1: i32, %arg2: memref<1x10240xf32, #tpu.memory_space<hbm>>, %arg3: memref<10000xf32, #tpu.memory_space<hbm>>, %arg4: memref<1x327680xi32, #tpu.memory_space<hbm>>, %arg5: memref<1x327680xi32, #tpu.memory_space<hbm>>, %arg6: memref<327680xf32, #tpu.memory_space<hbm>>, %arg7: memref<327680xf32, #tpu.memory_space<hbm>>, %arg8: memref<1x10240xf32, #tpu.memory_space<vmem>>, %arg9: memref<10000xf32, #tpu.memory_space<vmem>>, %arg10: memref<2560xi32, #tpu.memory_space<vmem>>, %arg11: memref<2560xi32, #tpu.memory_space<vmem>>, %arg12: memref<2560xi32, #tpu.memory_space<vmem>>, %arg13: memref<2560xi32, #tpu.memory_space<vmem>>, %arg14: memref<2560xf32, #tpu.memory_space<vmem>>, %arg15: memref<2560xf32, #tpu.memory_space<vmem>>, %arg16: memref<2560xf32, #tpu.memory_space<vmem>>, %arg17: memref<2560xf32, #tpu.memory_space<vmem>>, %arg18: memref<!tpu.dma_semaphore, #tpu.memory_space<semaphore_mem>>, %arg19: memref<!tpu.dma_semaphore, #tpu.memory_space<semaphore_mem>>, %arg20: memref<!tpu.dma_semaphore, #tpu.memory_space<semaphore_mem>>, %arg21: memref<!tpu.dma_semaphore, #tpu.memory_space<semaphore_mem>>) attributes {dimension_semantics = [#tpu.dimension_semantics<core_parallel>, #tpu.dimension_semantics<subcore_parallel>], iteration_bounds = array<i64: 2, 16>, scalar_prefetch = 0 : i64, scratch_operands = 14 : i64, tpu.core_type = #tpu.core_type<sc_vector_subcore>, window_params = [{transform_indices = #map}, {transform_indices = #map1}, {transform_indices = #map}, {transform_indices = #map}, {transform_indices = #map1}, {transform_indices = #map1}]} {
    %mul3A = arith.constant 2 : i32
    %mul3A_0 = arith.muli %arg1, %mul3A : i32
    %add3A = arith.addi %mul3A_0, %arg0 : i32
    %mul3A_1 = arith.constant 10240 : i32
    %mul3A_2 = arith.muli %add3A, %mul3A_1 : i32
    "tpu.region"() ({
      %run_scoped3A = tpu.sem_alloc : memref<!tpu.dma_semaphore, #tpu.memory_space<semaphore_mem>>
      tpu.enqueue_dma source(%arg2 : memref<1x10240xf32, #tpu.memory_space<hbm>>) target(%arg8 : memref<1x10240xf32, #tpu.memory_space<vmem>>) target_semaphore(%run_scoped3A : memref<!tpu.dma_semaphore, #tpu.memory_space<semaphore_mem>>)
      tpu.wait_dma2 semaphore(%run_scoped3A : memref<!tpu.dma_semaphore, #tpu.memory_space<semaphore_mem>>) src(%arg2 : memref<1x10240xf32, #tpu.memory_space<hbm>>) dst(%arg8 : memref<1x10240xf32, #tpu.memory_space<vmem>>)
      tpu.yield
    }) : () -> ()
    "tpu.region"() ({
      %run_scoped3A = tpu.sem_alloc : memref<!tpu.dma_semaphore, #tpu.memory_space<semaphore_mem>>
      tpu.enqueue_dma source(%arg3 : memref<10000xf32, #tpu.memory_space<hbm>>) target(%arg9 : memref<10000xf32, #tpu.memory_space<vmem>>) target_semaphore(%run_scoped3A : memref<!tpu.dma_semaphore, #tpu.memory_space<semaphore_mem>>)
      tpu.wait_dma2 semaphore(%run_scoped3A : memref<!tpu.dma_semaphore, #tpu.memory_space<semaphore_mem>>) src(%arg3 : memref<10000xf32, #tpu.memory_space<hbm>>) dst(%arg9 : memref<10000xf32, #tpu.memory_space<vmem>>)
      tpu.yield
    }) : () -> ()
    %add3A_3 = arith.constant 0 : i32
    %add3A_4 = arith.addi %mul3A_2, %add3A_3 : i32
    %multiple_of3A = tpu.assume_multiple %add3A_4, 128 : i32
    %dma_start3A = arith.constant 0 : i32
    %dma_start3A_5 = tpu.memref_slice %arg4[%dma_start3A, %multiple_of3A] : memref<1x327680xi32, #tpu.memory_space<hbm>> -> memref<1x2560xi32, #tpu.memory_space<hbm>>
    %dma_start3A_6 = tpu.memref_squeeze %dma_start3A_5 : memref<1x2560xi32, #tpu.memory_space<hbm>> -> memref<2560xi32, #tpu.memory_space<hbm>>
    %dma_start3A_7 = tpu.memref_slice %arg4[%dma_start3A, %multiple_of3A] : memref<1x327680xi32, #tpu.memory_space<hbm>> -> memref<1x2560xi32, #tpu.memory_space<hbm>>
    %dma_start3A_8 = tpu.memref_squeeze %dma_start3A_7 : memref<1x2560xi32, #tpu.memory_space<hbm>> -> memref<2560xi32, #tpu.memory_space<hbm>>
    tpu.enqueue_dma source(%dma_start3A_8 : memref<2560xi32, #tpu.memory_space<hbm>>) target(%arg10 : memref<2560xi32, #tpu.memory_space<vmem>>) target_semaphore(%arg18 : memref<!tpu.dma_semaphore, #tpu.memory_space<semaphore_mem>>)
    %add3A_9 = arith.constant 0 : i32
    %add3A_10 = arith.addi %mul3A_2, %add3A_9 : i32
    %multiple_of3A_11 = tpu.assume_multiple %add3A_10, 128 : i32
    %dma_start3A_12 = arith.constant 0 : i32
    %dma_start3A_13 = tpu.memref_slice %arg5[%dma_start3A_12, %multiple_of3A_11] : memref<1x327680xi32, #tpu.memory_space<hbm>> -> memref<1x2560xi32, #tpu.memory_space<hbm>>
    %dma_start3A_14 = tpu.memref_squeeze %dma_start3A_13 : memref<1x2560xi32, #tpu.memory_space<hbm>> -> memref<2560xi32, #tpu.memory_space<hbm>>
    %dma_start3A_15 = tpu.memref_slice %arg5[%dma_start3A_12, %multiple_of3A_11] : memref<1x327680xi32, #tpu.memory_space<hbm>> -> memref<1x2560xi32, #tpu.memory_space<hbm>>
    %dma_start3A_16 = tpu.memref_squeeze %dma_start3A_15 : memref<1x2560xi32, #tpu.memory_space<hbm>> -> memref<2560xi32, #tpu.memory_space<hbm>>
    tpu.enqueue_dma source(%dma_start3A_16 : memref<2560xi32, #tpu.memory_space<hbm>>) target(%arg12 : memref<2560xi32, #tpu.memory_space<vmem>>) target_semaphore(%arg18 : memref<!tpu.dma_semaphore, #tpu.memory_space<semaphore_mem>>)
    %add3A_17 = arith.constant 2560 : i32
    %add3A_18 = arith.addi %mul3A_2, %add3A_17 : i32
    %multiple_of3A_19 = tpu.assume_multiple %add3A_18, 128 : i32
    %dma_start3A_20 = arith.constant 0 : i32
    %dma_start3A_21 = tpu.memref_slice %arg4[%dma_start3A_20, %multiple_of3A_19] : memref<1x327680xi32, #tpu.memory_space<hbm>> -> memref<1x2560xi32, #tpu.memory_space<hbm>>
    %dma_start3A_22 = tpu.memref_squeeze %dma_start3A_21 : memref<1x2560xi32, #tpu.memory_space<hbm>> -> memref<2560xi32, #tpu.memory_space<hbm>>
    %dma_start3A_23 = tpu.memref_slice %arg4[%dma_start3A_20, %multiple_of3A_19] : memref<1x327680xi32, #tpu.memory_space<hbm>> -> memref<1x2560xi32, #tpu.memory_space<hbm>>
    %dma_start3A_24 = tpu.memref_squeeze %dma_start3A_23 : memref<1x2560xi32, #tpu.memory_space<hbm>> -> memref<2560xi32, #tpu.memory_space<hbm>>
    tpu.enqueue_dma source(%dma_start3A_24 : memref<2560xi32, #tpu.memory_space<hbm>>) target(%arg11 : memref<2560xi32, #tpu.memory_space<vmem>>) target_semaphore(%arg19 : memref<!tpu.dma_semaphore, #tpu.memory_space<semaphore_mem>>)
    %add3A_25 = arith.constant 2560 : i32
    %add3A_26 = arith.addi %mul3A_2, %add3A_25 : i32
    %multiple_of3A_27 = tpu.assume_multiple %add3A_26, 128 : i32
    %dma_start3A_28 = arith.constant 0 : i32
    %dma_start3A_29 = tpu.memref_slice %arg5[%dma_start3A_28, %multiple_of3A_27] : memref<1x327680xi32, #tpu.memory_space<hbm>> -> memref<1x2560xi32, #tpu.memory_space<hbm>>
    %dma_start3A_30 = tpu.memref_squeeze %dma_start3A_29 : memref<1x2560xi32, #tpu.memory_space<hbm>> -> memref<2560xi32, #tpu.memory_space<hbm>>
    %dma_start3A_31 = tpu.memref_slice %arg5[%dma_start3A_28, %multiple_of3A_27] : memref<1x327680xi32, #tpu.memory_space<hbm>> -> memref<1x2560xi32, #tpu.memory_space<hbm>>
    %dma_start3A_32 = tpu.memref_squeeze %dma_start3A_31 : memref<1x2560xi32, #tpu.memory_space<hbm>> -> memref<2560xi32, #tpu.memory_space<hbm>>
    tpu.enqueue_dma source(%dma_start3A_32 : memref<2560xi32, #tpu.memory_space<hbm>>) target(%arg13 : memref<2560xi32, #tpu.memory_space<vmem>>) target_semaphore(%arg19 : memref<!tpu.dma_semaphore, #tpu.memory_space<semaphore_mem>>)
    %add3A_33 = arith.constant 0 : i32
    %add3A_34 = arith.addi %mul3A_2, %add3A_33 : i32
    %multiple_of3A_35 = tpu.assume_multiple %add3A_34, 128 : i32
    %dma_wait3A = arith.constant 0 : i32
    %dma_wait3A_36 = tpu.memref_slice %arg4[%dma_wait3A, %multiple_of3A_35] : memref<1x327680xi32, #tpu.memory_space<hbm>> -> memref<1x2560xi32, #tpu.memory_space<hbm>>
    %dma_wait3A_37 = tpu.memref_squeeze %dma_wait3A_36 : memref<1x2560xi32, #tpu.memory_space<hbm>> -> memref<2560xi32, #tpu.memory_space<hbm>>
    %dma_wait3A_38 = tpu.memref_slice %arg4[%dma_wait3A, %multiple_of3A_35] : memref<1x327680xi32, #tpu.memory_space<hbm>> -> memref<1x2560xi32, #tpu.memory_space<hbm>>
    %dma_wait3A_39 = tpu.memref_squeeze %dma_wait3A_38 : memref<1x2560xi32, #tpu.memory_space<hbm>> -> memref<2560xi32, #tpu.memory_space<hbm>>
    tpu.wait_dma2 semaphore(%arg18 : memref<!tpu.dma_semaphore, #tpu.memory_space<semaphore_mem>>) src(%dma_wait3A_39 : memref<2560xi32, #tpu.memory_space<hbm>>) dst(%arg10 : memref<2560xi32, #tpu.memory_space<vmem>>)
    %add3A_40 = arith.constant 0 : i32
    %add3A_41 = arith.addi %mul3A_2, %add3A_40 : i32
    %multiple_of3A_42 = tpu.assume_multiple %add3A_41, 128 : i32
    %dma_wait3A_43 = arith.constant 0 : i32
    %dma_wait3A_44 = tpu.memref_slice %arg5[%dma_wait3A_43, %multiple_of3A_42] : memref<1x327680xi32, #tpu.memory_space<hbm>> -> memref<1x2560xi32, #tpu.memory_space<hbm>>
    %dma_wait3A_45 = tpu.memref_squeeze %dma_wait3A_44 : memref<1x2560xi32, #tpu.memory_space<hbm>> -> memref<2560xi32, #tpu.memory_space<hbm>>
    %dma_wait3A_46 = tpu.memref_slice %arg5[%dma_wait3A_43, %multiple_of3A_42] : memref<1x327680xi32, #tpu.memory_space<hbm>> -> memref<1x2560xi32, #tpu.memory_space<hbm>>
    %dma_wait3A_47 = tpu.memref_squeeze %dma_wait3A_46 : memref<1x2560xi32, #tpu.memory_space<hbm>> -> memref<2560xi32, #tpu.memory_space<hbm>>
    tpu.wait_dma2 semaphore(%arg18 : memref<!tpu.dma_semaphore, #tpu.memory_space<semaphore_mem>>) src(%dma_wait3A_47 : memref<2560xi32, #tpu.memory_space<hbm>>) dst(%arg12 : memref<2560xi32, #tpu.memory_space<vmem>>)
    %broadcast_in_dim3A = arith.constant 0 : i32
    %broadcast_in_dim3A_48 = vector.broadcast %broadcast_in_dim3A : i32 to vector<16xi32>
    %parallel_loop3A = arith.constant 0 : i32
    %parallel_loop3A_49 = arith.constant 2560 : i32
    %parallel_loop3A_50 = arith.constant 16 : i32
    scf.for %parallel_loop3A_202 = %parallel_loop3A to %parallel_loop3A_49 step %parallel_loop3A_50  : i32 {
      %parallel_loop3A_203 = arith.index_cast %parallel_loop3A_202 : i32 to index
      %parallel_loop3A_204 = tpu.vector_load %arg10[%parallel_loop3A_203] {strides = array<i32>} : memref<2560xi32, #tpu.memory_space<vmem>>, vector<16xi32>,
      %parallel_loop3A_205 = arith.constant 0 : i32
      %parallel_loop3A_206 = vector.broadcast %parallel_loop3A_205 : i32 to vector<16xi32>
      %parallel_loop3A_207 = arith.maxsi %parallel_loop3A_204, %parallel_loop3A_206 : vector<16xi32>
      %parallel_loop3A_208 = arith.constant 9999 : i32
      %parallel_loop3A_209 = vector.broadcast %parallel_loop3A_208 : i32 to vector<16xi32>
      %parallel_loop3A_210 = arith.minsi %parallel_loop3A_207, %parallel_loop3A_209 : vector<16xi32>
      %parallel_loop3A_211 = arith.index_cast %parallel_loop3A_202 : i32 to index
      %parallel_loop3A_212 = tpu.vector_load %arg12[%parallel_loop3A_211] {strides = array<i32>} : memref<2560xi32, #tpu.memory_space<vmem>>, vector<16xi32>,
      %parallel_loop3A_213 = arith.constant 0 : i32
      %parallel_loop3A_214 = vector.broadcast %parallel_loop3A_213 : i32 to vector<16xi32>
      %parallel_loop3A_215 = arith.maxsi %parallel_loop3A_212, %parallel_loop3A_214 : vector<16xi32>
      %parallel_loop3A_216 = arith.constant 9999 : i32
      %parallel_loop3A_217 = vector.broadcast %parallel_loop3A_216 : i32 to vector<16xi32>
      %parallel_loop3A_218 = arith.minsi %parallel_loop3A_215, %parallel_loop3A_217 : vector<16xi32>
      %parallel_loop3A_219 = tpu.vector_load_idx %arg8[%broadcast_in_dim3A_48, %parallel_loop3A_210] : memref<1x10240xf32, #tpu.memory_space<vmem>>[vector<16xi32>, vector<16xi32>], vector<16xf32>,
      %parallel_loop3A_220 = tpu.vector_load_idx %arg8[%broadcast_in_dim3A_48, %parallel_loop3A_218] : memref<1x10240xf32, #tpu.memory_space<vmem>>[vector<16xi32>, vector<16xi32>], vector<16xf32>,
      %parallel_loop3A_221 = tpu.vector_load_idx %arg9[%parallel_loop3A_210] : memref<10000xf32, #tpu.memory_space<vmem>>[vector<16xi32>], vector<16xf32>,
      %parallel_loop3A_222 = tpu.vector_load_idx %arg9[%parallel_loop3A_218] : memref<10000xf32, #tpu.memory_space<vmem>>[vector<16xi32>], vector<16xf32>,
      %parallel_loop3A_223 = arith.subf %parallel_loop3A_219, %parallel_loop3A_220 : vector<16xf32>
      %parallel_loop3A_224 = arith.index_cast %parallel_loop3A_202 : i32 to index
      %parallel_loop3A_225 = tpu.vector_load %arg14[%parallel_loop3A_224] {strides = array<i32>} : memref<2560xf32, #tpu.memory_space<vmem>>, vector<16xf32>,
      tpu.vector_store %arg14[%parallel_loop3A_224], %parallel_loop3A_223 {strides = array<i32>} : memref<2560xf32, #tpu.memory_space<vmem>>, vector<16xf32>,
      %parallel_loop3A_226 = arith.constant 2.000000e+00 : f32
      %parallel_loop3A_227 = vector.broadcast %parallel_loop3A_226 : f32 to vector<16xf32>
      %parallel_loop3A_228 = arith.mulf %parallel_loop3A_227, %parallel_loop3A_221 : vector<16xf32>
      %parallel_loop3A_229 = arith.mulf %parallel_loop3A_228, %parallel_loop3A_222 : vector<16xf32>
      %parallel_loop3A_230 = arith.addf %parallel_loop3A_221, %parallel_loop3A_222 : vector<16xf32>
      %parallel_loop3A_231 = arith.constant 9.99999993E-9 : f32
      %parallel_loop3A_232 = vector.broadcast %parallel_loop3A_231 : f32 to vector<16xf32>
      %parallel_loop3A_233 = arith.addf %parallel_loop3A_230, %parallel_loop3A_232 : vector<16xf32>
      %parallel_loop3A_234 = arith.divf %parallel_loop3A_229, %parallel_loop3A_233 : vector<16xf32>
      %parallel_loop3A_235 = arith.index_cast %parallel_loop3A_202 : i32 to index
      %parallel_loop3A_236 = tpu.vector_load %arg16[%parallel_loop3A_235] {strides = array<i32>} : memref<2560xf32, #tpu.memory_space<vmem>>, vector<16xf32>,
      tpu.vector_store %arg16[%parallel_loop3A_235], %parallel_loop3A_234 {strides = array<i32>} : memref<2560xf32, #tpu.memory_space<vmem>>, vector<16xf32>,
    } {sc.loop_unroll_factor = 8 : i64, sc.parallel_access}
    %add3A_51 = arith.constant 0 : i32
    %add3A_52 = arith.addi %mul3A_2, %add3A_51 : i32
    %multiple_of3A_53 = tpu.assume_multiple %add3A_52, 128 : i32
    %dma_start3A_54 = tpu.memref_slice %arg6[%multiple_of3A_53] : memref<327680xf32, #tpu.memory_space<hbm>> -> memref<2560xf32, #tpu.memory_space<hbm>>
    %dma_start3A_55 = tpu.memref_slice %arg6[%multiple_of3A_53] : memref<327680xf32, #tpu.memory_space<hbm>> -> memref<2560xf32, #tpu.memory_space<hbm>>
    tpu.enqueue_dma source(%arg14 : memref<2560xf32, #tpu.memory_space<vmem>>) target(%dma_start3A_55 : memref<2560xf32, #tpu.memory_space<hbm>>) target_semaphore(%arg20 : memref<!tpu.dma_semaphore, #tpu.memory_space<semaphore_mem>>)
    %add3A_56 = arith.constant 0 : i32
    %add3A_57 = arith.addi %mul3A_2, %add3A_56 : i32
    %multiple_of3A_58 = tpu.assume_multiple %add3A_57, 128 : i32
    %dma_start3A_59 = tpu.memref_slice %arg7[%multiple_of3A_58] : memref<327680xf32, #tpu.memory_space<hbm>> -> memref<2560xf32, #tpu.memory_space<hbm>>
    %dma_start3A_60 = tpu.memref_slice %arg7[%multiple_of3A_58] : memref<327680xf32, #tpu.memory_space<hbm>> -> memref<2560xf32, #tpu.memory_space<hbm>>
    tpu.enqueue_dma source(%arg16 : memref<2560xf32, #tpu.memory_space<vmem>>) target(%dma_start3A_60 : memref<2560xf32, #tpu.memory_space<hbm>>) target_semaphore(%arg20 : memref<!tpu.dma_semaphore, #tpu.memory_space<semaphore_mem>>)
    %add3A_61 = arith.constant 5120 : i32
    %add3A_62 = arith.addi %mul3A_2, %add3A_61 : i32
    %multiple_of3A_63 = tpu.assume_multiple %add3A_62, 128 : i32
    %dma_start3A_64 = arith.constant 0 : i32
    %dma_start3A_65 = tpu.memref_slice %arg4[%dma_start3A_64, %multiple_of3A_63] : memref<1x327680xi32, #tpu.memory_space<hbm>> -> memref<1x2560xi32, #tpu.memory_space<hbm>>
    %dma_start3A_66 = tpu.memref_squeeze %dma_start3A_65 : memref<1x2560xi32, #tpu.memory_space<hbm>> -> memref<2560xi32, #tpu.memory_space<hbm>>
    %dma_start3A_67 = tpu.memref_slice %arg4[%dma_start3A_64, %multiple_of3A_63] : memref<1x327680xi32, #tpu.memory_space<hbm>> -> memref<1x2560xi32, #tpu.memory_space<hbm>>
    %dma_start3A_68 = tpu.memref_squeeze %dma_start3A_67 : memref<1x2560xi32, #tpu.memory_space<hbm>> -> memref<2560xi32, #tpu.memory_space<hbm>>
    tpu.enqueue_dma source(%dma_start3A_68 : memref<2560xi32, #tpu.memory_space<hbm>>) target(%arg10 : memref<2560xi32, #tpu.memory_space<vmem>>) target_semaphore(%arg18 : memref<!tpu.dma_semaphore, #tpu.memory_space<semaphore_mem>>)
    %add3A_69 = arith.constant 5120 : i32
    %add3A_70 = arith.addi %mul3A_2, %add3A_69 : i32
    %multiple_of3A_71 = tpu.assume_multiple %add3A_70, 128 : i32
    %dma_start3A_72 = arith.constant 0 : i32
    %dma_start3A_73 = tpu.memref_slice %arg5[%dma_start3A_72, %multiple_of3A_71] : memref<1x327680xi32, #tpu.memory_space<hbm>> -> memref<1x2560xi32, #tpu.memory_space<hbm>>
    %dma_start3A_74 = tpu.memref_squeeze %dma_start3A_73 : memref<1x2560xi32, #tpu.memory_space<hbm>> -> memref<2560xi32, #tpu.memory_space<hbm>>
    %dma_start3A_75 = tpu.memref_slice %arg5[%dma_start3A_72, %multiple_of3A_71] : memref<1x327680xi32, #tpu.memory_space<hbm>> -> memref<1x2560xi32, #tpu.memory_space<hbm>>
    %dma_start3A_76 = tpu.memref_squeeze %dma_start3A_75 : memref<1x2560xi32, #tpu.memory_space<hbm>> -> memref<2560xi32, #tpu.memory_space<hbm>>
    tpu.enqueue_dma source(%dma_start3A_76 : memref<2560xi32, #tpu.memory_space<hbm>>) target(%arg12 : memref<2560xi32, #tpu.memory_space<vmem>>) target_semaphore(%arg18 : memref<!tpu.dma_semaphore, #tpu.memory_space<semaphore_mem>>)
    %add3A_77 = arith.constant 2560 : i32
    %add3A_78 = arith.addi %mul3A_2, %add3A_77 : i32
    %multiple_of3A_79 = tpu.assume_multiple %add3A_78, 128 : i32
    %dma_wait3A_80 = arith.constant 0 : i32
    %dma_wait3A_81 = tpu.memref_slice %arg4[%dma_wait3A_80, %multiple_of3A_79] : memref<1x327680xi32, #tpu.memory_space<hbm>> -> memref<1x2560xi32, #tpu.memory_space<hbm>>
    %dma_wait3A_82 = tpu.memref_squeeze %dma_wait3A_81 : memref<1x2560xi32, #tpu.memory_space<hbm>> -> memref<2560xi32, #tpu.memory_space<hbm>>
    %dma_wait3A_83 = tpu.memref_slice %arg4[%dma_wait3A_80, %multiple_of3A_79] : memref<1x327680xi32, #tpu.memory_space<hbm>> -> memref<1x2560xi32, #tpu.memory_space<hbm>>
    %dma_wait3A_84 = tpu.memref_squeeze %dma_wait3A_83 : memref<1x2560xi32, #tpu.memory_space<hbm>> -> memref<2560xi32, #tpu.memory_space<hbm>>
    tpu.wait_dma2 semaphore(%arg19 : memref<!tpu.dma_semaphore, #tpu.memory_space<semaphore_mem>>) src(%dma_wait3A_84 : memref<2560xi32, #tpu.memory_space<hbm>>) dst(%arg11 : memref<2560xi32, #tpu.memory_space<vmem>>)
    %add3A_85 = arith.constant 2560 : i32
    %add3A_86 = arith.addi %mul3A_2, %add3A_85 : i32
    %multiple_of3A_87 = tpu.assume_multiple %add3A_86, 128 : i32
    %dma_wait3A_88 = arith.constant 0 : i32
    %dma_wait3A_89 = tpu.memref_slice %arg5[%dma_wait3A_88, %multiple_of3A_87] : memref<1x327680xi32, #tpu.memory_space<hbm>> -> memref<1x2560xi32, #tpu.memory_space<hbm>>
    %dma_wait3A_90 = tpu.memref_squeeze %dma_wait3A_89 : memref<1x2560xi32, #tpu.memory_space<hbm>> -> memref<2560xi32, #tpu.memory_space<hbm>>
    %dma_wait3A_91 = tpu.memref_slice %arg5[%dma_wait3A_88, %multiple_of3A_87] : memref<1x327680xi32, #tpu.memory_space<hbm>> -> memref<1x2560xi32, #tpu.memory_space<hbm>>
    %dma_wait3A_92 = tpu.memref_squeeze %dma_wait3A_91 : memref<1x2560xi32, #tpu.memory_space<hbm>> -> memref<2560xi32, #tpu.memory_space<hbm>>
    tpu.wait_dma2 semaphore(%arg19 : memref<!tpu.dma_semaphore, #tpu.memory_space<semaphore_mem>>) src(%dma_wait3A_92 : memref<2560xi32, #tpu.memory_space<hbm>>) dst(%arg13 : memref<2560xi32, #tpu.memory_space<vmem>>)
    %broadcast_in_dim3A_93 = arith.constant 0 : i32
    %broadcast_in_dim3A_94 = vector.broadcast %broadcast_in_dim3A_93 : i32 to vector<16xi32>
    %parallel_loop3A_95 = arith.constant 0 : i32
    %parallel_loop3A_96 = arith.constant 2560 : i32
    %parallel_loop3A_97 = arith.constant 16 : i32
    scf.for %parallel_loop3A_202 = %parallel_loop3A_95 to %parallel_loop3A_96 step %parallel_loop3A_97  : i32 {
      %parallel_loop3A_203 = arith.index_cast %parallel_loop3A_202 : i32 to index
      %parallel_loop3A_204 = tpu.vector_load %arg11[%parallel_loop3A_203] {strides = array<i32>} : memref<2560xi32, #tpu.memory_space<vmem>>, vector<16xi32>,
      %parallel_loop3A_205 = arith.constant 0 : i32
      %parallel_loop3A_206 = vector.broadcast %parallel_loop3A_205 : i32 to vector<16xi32>
      %parallel_loop3A_207 = arith.maxsi %parallel_loop3A_204, %parallel_loop3A_206 : vector<16xi32>
      %parallel_loop3A_208 = arith.constant 9999 : i32
      %parallel_loop3A_209 = vector.broadcast %parallel_loop3A_208 : i32 to vector<16xi32>
      %parallel_loop3A_210 = arith.minsi %parallel_loop3A_207, %parallel_loop3A_209 : vector<16xi32>
      %parallel_loop3A_211 = arith.index_cast %parallel_loop3A_202 : i32 to index
      %parallel_loop3A_212 = tpu.vector_load %arg13[%parallel_loop3A_211] {strides = array<i32>} : memref<2560xi32, #tpu.memory_space<vmem>>, vector<16xi32>,
      %parallel_loop3A_213 = arith.constant 0 : i32
      %parallel_loop3A_214 = vector.broadcast %parallel_loop3A_213 : i32 to vector<16xi32>
      %parallel_loop3A_215 = arith.maxsi %parallel_loop3A_212, %parallel_loop3A_214 : vector<16xi32>
      %parallel_loop3A_216 = arith.constant 9999 : i32
      %parallel_loop3A_217 = vector.broadcast %parallel_loop3A_216 : i32 to vector<16xi32>
      %parallel_loop3A_218 = arith.minsi %parallel_loop3A_215, %parallel_loop3A_217 : vector<16xi32>
      %parallel_loop3A_219 = tpu.vector_load_idx %arg8[%broadcast_in_dim3A_94, %parallel_loop3A_210] : memref<1x10240xf32, #tpu.memory_space<vmem>>[vector<16xi32>, vector<16xi32>], vector<16xf32>,
      %parallel_loop3A_220 = tpu.vector_load_idx %arg8[%broadcast_in_dim3A_94, %parallel_loop3A_218] : memref<1x10240xf32, #tpu.memory_space<vmem>>[vector<16xi32>, vector<16xi32>], vector<16xf32>,
      %parallel_loop3A_221 = tpu.vector_load_idx %arg9[%parallel_loop3A_210] : memref<10000xf32, #tpu.memory_space<vmem>>[vector<16xi32>], vector<16xf32>,
      %parallel_loop3A_222 = tpu.vector_load_idx %arg9[%parallel_loop3A_218] : memref<10000xf32, #tpu.memory_space<vmem>>[vector<16xi32>], vector<16xf32>,
      %parallel_loop3A_223 = arith.subf %parallel_loop3A_219, %parallel_loop3A_220 : vector<16xf32>
      %parallel_loop3A_224 = arith.index_cast %parallel_loop3A_202 : i32 to index
      %parallel_loop3A_225 = tpu.vector_load %arg15[%parallel_loop3A_224] {strides = array<i32>} : memref<2560xf32, #tpu.memory_space<vmem>>, vector<16xf32>,
      tpu.vector_store %arg15[%parallel_loop3A_224], %parallel_loop3A_223 {strides = array<i32>} : memref<2560xf32, #tpu.memory_space<vmem>>, vector<16xf32>,
      %parallel_loop3A_226 = arith.constant 2.000000e+00 : f32
      %parallel_loop3A_227 = vector.broadcast %parallel_loop3A_226 : f32 to vector<16xf32>
      %parallel_loop3A_228 = arith.mulf %parallel_loop3A_227, %parallel_loop3A_221 : vector<16xf32>
      %parallel_loop3A_229 = arith.mulf %parallel_loop3A_228, %parallel_loop3A_222 : vector<16xf32>
      %parallel_loop3A_230 = arith.addf %parallel_loop3A_221, %parallel_loop3A_222 : vector<16xf32>
      %parallel_loop3A_231 = arith.constant 9.99999993E-9 : f32
      %parallel_loop3A_232 = vector.broadcast %parallel_loop3A_231 : f32 to vector<16xf32>
      %parallel_loop3A_233 = arith.addf %parallel_loop3A_230, %parallel_loop3A_232 : vector<16xf32>
      %parallel_loop3A_234 = arith.divf %parallel_loop3A_229, %parallel_loop3A_233 : vector<16xf32>
      %parallel_loop3A_235 = arith.index_cast %parallel_loop3A_202 : i32 to index
      %parallel_loop3A_236 = tpu.vector_load %arg17[%parallel_loop3A_235] {strides = array<i32>} : memref<2560xf32, #tpu.memory_space<vmem>>, vector<16xf32>,
      tpu.vector_store %arg17[%parallel_loop3A_235], %parallel_loop3A_234 {strides = array<i32>} : memref<2560xf32, #tpu.memory_space<vmem>>, vector<16xf32>,
    } {sc.loop_unroll_factor = 8 : i64, sc.parallel_access}
    %add3A_98 = arith.constant 2560 : i32
    %add3A_99 = arith.addi %mul3A_2, %add3A_98 : i32
    %multiple_of3A_100 = tpu.assume_multiple %add3A_99, 128 : i32
    %dma_start3A_101 = tpu.memref_slice %arg6[%multiple_of3A_100] : memref<327680xf32, #tpu.memory_space<hbm>> -> memref<2560xf32, #tpu.memory_space<hbm>>
    %dma_start3A_102 = tpu.memref_slice %arg6[%multiple_of3A_100] : memref<327680xf32, #tpu.memory_space<hbm>> -> memref<2560xf32, #tpu.memory_space<hbm>>
    tpu.enqueue_dma source(%arg15 : memref<2560xf32, #tpu.memory_space<vmem>>) target(%dma_start3A_102 : memref<2560xf32, #tpu.memory_space<hbm>>) target_semaphore(%arg21 : memref<!tpu.dma_semaphore, #tpu.memory_space<semaphore_mem>>)
    %add3A_103 = arith.constant 2560 : i32
    %add3A_104 = arith.addi %mul3A_2, %add3A_103 : i32
    %multiple_of3A_105 = tpu.assume_multiple %add3A_104, 128 : i32
    %dma_start3A_106 = tpu.memref_slice %arg7[%multiple_of3A_105] : memref<327680xf32, #tpu.memory_space<hbm>> -> memref<2560xf32, #tpu.memory_space<hbm>>
    %dma_start3A_107 = tpu.memref_slice %arg7[%multiple_of3A_105] : memref<327680xf32, #tpu.memory_space<hbm>> -> memref<2560xf32, #tpu.memory_space<hbm>>
    tpu.enqueue_dma source(%arg17 : memref<2560xf32, #tpu.memory_space<vmem>>) target(%dma_start3A_107 : memref<2560xf32, #tpu.memory_space<hbm>>) target_semaphore(%arg21 : memref<!tpu.dma_semaphore, #tpu.memory_space<semaphore_mem>>)
    %add3A_108 = arith.constant 7680 : i32
    %add3A_109 = arith.addi %mul3A_2, %add3A_108 : i32
    %multiple_of3A_110 = tpu.assume_multiple %add3A_109, 128 : i32
    %dma_start3A_111 = arith.constant 0 : i32
    %dma_start3A_112 = tpu.memref_slice %arg4[%dma_start3A_111, %multiple_of3A_110] : memref<1x327680xi32, #tpu.memory_space<hbm>> -> memref<1x2560xi32, #tpu.memory_space<hbm>>
    %dma_start3A_113 = tpu.memref_squeeze %dma_start3A_112 : memref<1x2560xi32, #tpu.memory_space<hbm>> -> memref<2560xi32, #tpu.memory_space<hbm>>
    %dma_start3A_114 = tpu.memref_slice %arg4[%dma_start3A_111, %multiple_of3A_110] : memref<1x327680xi32, #tpu.memory_space<hbm>> -> memref<1x2560xi32, #tpu.memory_space<hbm>>
    %dma_start3A_115 = tpu.memref_squeeze %dma_start3A_114 : memref<1x2560xi32, #tpu.memory_space<hbm>> -> memref<2560xi32, #tpu.memory_space<hbm>>
    tpu.enqueue_dma source(%dma_start3A_115 : memref<2560xi32, #tpu.memory_space<hbm>>) target(%arg11 : memref<2560xi32, #tpu.memory_space<vmem>>) target_semaphore(%arg19 : memref<!tpu.dma_semaphore, #tpu.memory_space<semaphore_mem>>)
    %add3A_116 = arith.constant 7680 : i32
    %add3A_117 = arith.addi %mul3A_2, %add3A_116 : i32
    %multiple_of3A_118 = tpu.assume_multiple %add3A_117, 128 : i32
    %dma_start3A_119 = arith.constant 0 : i32
    %dma_start3A_120 = tpu.memref_slice %arg5[%dma_start3A_119, %multiple_of3A_118] : memref<1x327680xi32, #tpu.memory_space<hbm>> -> memref<1x2560xi32, #tpu.memory_space<hbm>>
    %dma_start3A_121 = tpu.memref_squeeze %dma_start3A_120 : memref<1x2560xi32, #tpu.memory_space<hbm>> -> memref<2560xi32, #tpu.memory_space<hbm>>
    %dma_start3A_122 = tpu.memref_slice %arg5[%dma_start3A_119, %multiple_of3A_118] : memref<1x327680xi32, #tpu.memory_space<hbm>> -> memref<1x2560xi32, #tpu.memory_space<hbm>>
    %dma_start3A_123 = tpu.memref_squeeze %dma_start3A_122 : memref<1x2560xi32, #tpu.memory_space<hbm>> -> memref<2560xi32, #tpu.memory_space<hbm>>
    tpu.enqueue_dma source(%dma_start3A_123 : memref<2560xi32, #tpu.memory_space<hbm>>) target(%arg13 : memref<2560xi32, #tpu.memory_space<vmem>>) target_semaphore(%arg19 : memref<!tpu.dma_semaphore, #tpu.memory_space<semaphore_mem>>)
    %add3A_124 = arith.constant 5120 : i32
    %add3A_125 = arith.addi %mul3A_2, %add3A_124 : i32
    %multiple_of3A_126 = tpu.assume_multiple %add3A_125, 128 : i32
    %dma_wait3A_127 = arith.constant 0 : i32
    %dma_wait3A_128 = tpu.memref_slice %arg4[%dma_wait3A_127, %multiple_of3A_126] : memref<1x327680xi32, #tpu.memory_space<hbm>> -> memref<1x2560xi32, #tpu.memory_space<hbm>>
    %dma_wait3A_129 = tpu.memref_squeeze %dma_wait3A_128 : memref<1x2560xi32, #tpu.memory_space<hbm>> -> memref<2560xi32, #tpu.memory_space<hbm>>
    %dma_wait3A_130 = tpu.memref_slice %arg4[%dma_wait3A_127, %multiple_of3A_126] : memref<1x327680xi32, #tpu.memory_space<hbm>> -> memref<1x2560xi32, #tpu.memory_space<hbm>>
    %dma_wait3A_131 = tpu.memref_squeeze %dma_wait3A_130 : memref<1x2560xi32, #tpu.memory_space<hbm>> -> memref<2560xi32, #tpu.memory_space<hbm>>
    tpu.wait_dma2 semaphore(%arg18 : memref<!tpu.dma_semaphore, #tpu.memory_space<semaphore_mem>>) src(%dma_wait3A_131 : memref<2560xi32, #tpu.memory_space<hbm>>) dst(%arg10 : memref<2560xi32, #tpu.memory_space<vmem>>)
    %add3A_132 = arith.constant 5120 : i32
    %add3A_133 = arith.addi %mul3A_2, %add3A_132 : i32
    %multiple_of3A_134 = tpu.assume_multiple %add3A_133, 128 : i32
    %dma_wait3A_135 = arith.constant 0 : i32
    %dma_wait3A_136 = tpu.memref_slice %arg5[%dma_wait3A_135, %multiple_of3A_134] : memref<1x327680xi32, #tpu.memory_space<hbm>> -> memref<1x2560xi32, #tpu.memory_space<hbm>>
    %dma_wait3A_137 = tpu.memref_squeeze %dma_wait3A_136 : memref<1x2560xi32, #tpu.memory_space<hbm>> -> memref<2560xi32, #tpu.memory_space<hbm>>
    %dma_wait3A_138 = tpu.memref_slice %arg5[%dma_wait3A_135, %multiple_of3A_134] : memref<1x327680xi32, #tpu.memory_space<hbm>> -> memref<1x2560xi32, #tpu.memory_space<hbm>>
    %dma_wait3A_139 = tpu.memref_squeeze %dma_wait3A_138 : memref<1x2560xi32, #tpu.memory_space<hbm>> -> memref<2560xi32, #tpu.memory_space<hbm>>
    tpu.wait_dma2 semaphore(%arg18 : memref<!tpu.dma_semaphore, #tpu.memory_space<semaphore_mem>>) src(%dma_wait3A_139 : memref<2560xi32, #tpu.memory_space<hbm>>) dst(%arg12 : memref<2560xi32, #tpu.memory_space<vmem>>)
    %dma_wait3A_140 = tpu.memref_slice %arg6[%multiple_of3A_53] : memref<327680xf32, #tpu.memory_space<hbm>> -> memref<2560xf32, #tpu.memory_space<hbm>>
    %dma_wait3A_141 = tpu.memref_slice %arg6[%multiple_of3A_53] : memref<327680xf32, #tpu.memory_space<hbm>> -> memref<2560xf32, #tpu.memory_space<hbm>>
    tpu.wait_dma2 semaphore(%arg20 : memref<!tpu.dma_semaphore, #tpu.memory_space<semaphore_mem>>) src(%arg14 : memref<2560xf32, #tpu.memory_space<vmem>>) dst(%dma_wait3A_141 : memref<2560xf32, #tpu.memory_space<hbm>>)
    %dma_wait3A_142 = tpu.memref_slice %arg7[%multiple_of3A_58] : memref<327680xf32, #tpu.memory_space<hbm>> -> memref<2560xf32, #tpu.memory_space<hbm>>
    %dma_wait3A_143 = tpu.memref_slice %arg7[%multiple_of3A_58] : memref<327680xf32, #tpu.memory_space<hbm>> -> memref<2560xf32, #tpu.memory_space<hbm>>
    tpu.wait_dma2 semaphore(%arg20 : memref<!tpu.dma_semaphore, #tpu.memory_space<semaphore_mem>>) src(%arg16 : memref<2560xf32, #tpu.memory_space<vmem>>) dst(%dma_wait3A_143 : memref<2560xf32, #tpu.memory_space<hbm>>)
    %broadcast_in_dim3A_144 = arith.constant 0 : i32
    %broadcast_in_dim3A_145 = vector.broadcast %broadcast_in_dim3A_144 : i32 to vector<16xi32>
    %parallel_loop3A_146 = arith.constant 0 : i32
    %parallel_loop3A_147 = arith.constant 2560 : i32
    %parallel_loop3A_148 = arith.constant 16 : i32
    scf.for %parallel_loop3A_202 = %parallel_loop3A_146 to %parallel_loop3A_147 step %parallel_loop3A_148  : i32 {
      %parallel_loop3A_203 = arith.index_cast %parallel_loop3A_202 : i32 to index
      %parallel_loop3A_204 = tpu.vector_load %arg10[%parallel_loop3A_203] {strides = array<i32>} : memref<2560xi32, #tpu.memory_space<vmem>>, vector<16xi32>,
      %parallel_loop3A_205 = arith.constant 0 : i32
      %parallel_loop3A_206 = vector.broadcast %parallel_loop3A_205 : i32 to vector<16xi32>
      %parallel_loop3A_207 = arith.maxsi %parallel_loop3A_204, %parallel_loop3A_206 : vector<16xi32>
      %parallel_loop3A_208 = arith.constant 9999 : i32
      %parallel_loop3A_209 = vector.broadcast %parallel_loop3A_208 : i32 to vector<16xi32>
      %parallel_loop3A_210 = arith.minsi %parallel_loop3A_207, %parallel_loop3A_209 : vector<16xi32>
      %parallel_loop3A_211 = arith.index_cast %parallel_loop3A_202 : i32 to index
      %parallel_loop3A_212 = tpu.vector_load %arg12[%parallel_loop3A_211] {strides = array<i32>} : memref<2560xi32, #tpu.memory_space<vmem>>, vector<16xi32>,
      %parallel_loop3A_213 = arith.constant 0 : i32
      %parallel_loop3A_214 = vector.broadcast %parallel_loop3A_213 : i32 to vector<16xi32>
      %parallel_loop3A_215 = arith.maxsi %parallel_loop3A_212, %parallel_loop3A_214 : vector<16xi32>
      %parallel_loop3A_216 = arith.constant 9999 : i32
      %parallel_loop3A_217 = vector.broadcast %parallel_loop3A_216 : i32 to vector<16xi32>
      %parallel_loop3A_218 = arith.minsi %parallel_loop3A_215, %parallel_loop3A_217 : vector<16xi32>
      %parallel_loop3A_219 = tpu.vector_load_idx %arg8[%broadcast_in_dim3A_145, %parallel_loop3A_210] : memref<1x10240xf32, #tpu.memory_space<vmem>>[vector<16xi32>, vector<16xi32>], vector<16xf32>,
      %parallel_loop3A_220 = tpu.vector_load_idx %arg8[%broadcast_in_dim3A_145, %parallel_loop3A_218] : memref<1x10240xf32, #tpu.memory_space<vmem>>[vector<16xi32>, vector<16xi32>], vector<16xf32>,
      %parallel_loop3A_221 = tpu.vector_load_idx %arg9[%parallel_loop3A_210] : memref<10000xf32, #tpu.memory_space<vmem>>[vector<16xi32>], vector<16xf32>,
      %parallel_loop3A_222 = tpu.vector_load_idx %arg9[%parallel_loop3A_218] : memref<10000xf32, #tpu.memory_space<vmem>>[vector<16xi32>], vector<16xf32>,
      %parallel_loop3A_223 = arith.subf %parallel_loop3A_219, %parallel_loop3A_220 : vector<16xf32>
      %parallel_loop3A_224 = arith.index_cast %parallel_loop3A_202 : i32 to index
      %parallel_loop3A_225 = tpu.vector_load %arg14[%parallel_loop3A_224] {strides = array<i32>} : memref<2560xf32, #tpu.memory_space<vmem>>, vector<16xf32>,
      tpu.vector_store %arg14[%parallel_loop3A_224], %parallel_loop3A_223 {strides = array<i32>} : memref<2560xf32, #tpu.memory_space<vmem>>, vector<16xf32>,
      %parallel_loop3A_226 = arith.constant 2.000000e+00 : f32
      %parallel_loop3A_227 = vector.broadcast %parallel_loop3A_226 : f32 to vector<16xf32>
      %parallel_loop3A_228 = arith.mulf %parallel_loop3A_227, %parallel_loop3A_221 : vector<16xf32>
      %parallel_loop3A_229 = arith.mulf %parallel_loop3A_228, %parallel_loop3A_222 : vector<16xf32>
      %parallel_loop3A_230 = arith.addf %parallel_loop3A_221, %parallel_loop3A_222 : vector<16xf32>
      %parallel_loop3A_231 = arith.constant 9.99999993E-9 : f32
      %parallel_loop3A_232 = vector.broadcast %parallel_loop3A_231 : f32 to vector<16xf32>
      %parallel_loop3A_233 = arith.addf %parallel_loop3A_230, %parallel_loop3A_232 : vector<16xf32>
      %parallel_loop3A_234 = arith.divf %parallel_loop3A_229, %parallel_loop3A_233 : vector<16xf32>
      %parallel_loop3A_235 = arith.index_cast %parallel_loop3A_202 : i32 to index
      %parallel_loop3A_236 = tpu.vector_load %arg16[%parallel_loop3A_235] {strides = array<i32>} : memref<2560xf32, #tpu.memory_space<vmem>>, vector<16xf32>,
      tpu.vector_store %arg16[%parallel_loop3A_235], %parallel_loop3A_234 {strides = array<i32>} : memref<2560xf32, #tpu.memory_space<vmem>>, vector<16xf32>,
    } {sc.loop_unroll_factor = 8 : i64, sc.parallel_access}
    %add3A_149 = arith.constant 5120 : i32
    %add3A_150 = arith.addi %mul3A_2, %add3A_149 : i32
    %multiple_of3A_151 = tpu.assume_multiple %add3A_150, 128 : i32
    %dma_start3A_152 = tpu.memref_slice %arg6[%multiple_of3A_151] : memref<327680xf32, #tpu.memory_space<hbm>> -> memref<2560xf32, #tpu.memory_space<hbm>>
    %dma_start3A_153 = tpu.memref_slice %arg6[%multiple_of3A_151] : memref<327680xf32, #tpu.memory_space<hbm>> -> memref<2560xf32, #tpu.memory_space<hbm>>
    tpu.enqueue_dma source(%arg14 : memref<2560xf32, #tpu.memory_space<vmem>>) target(%dma_start3A_153 : memref<2560xf32, #tpu.memory_space<hbm>>) target_semaphore(%arg20 : memref<!tpu.dma_semaphore, #tpu.memory_space<semaphore_mem>>)
    %add3A_154 = arith.constant 5120 : i32
    %add3A_155 = arith.addi %mul3A_2, %add3A_154 : i32
    %multiple_of3A_156 = tpu.assume_multiple %add3A_155, 128 : i32
    %dma_start3A_157 = tpu.memref_slice %arg7[%multiple_of3A_156] : memref<327680xf32, #tpu.memory_space<hbm>> -> memref<2560xf32, #tpu.memory_space<hbm>>
    %dma_start3A_158 = tpu.memref_slice %arg7[%multiple_of3A_156] : memref<327680xf32, #tpu.memory_space<hbm>> -> memref<2560xf32, #tpu.memory_space<hbm>>
    tpu.enqueue_dma source(%arg16 : memref<2560xf32, #tpu.memory_space<vmem>>) target(%dma_start3A_158 : memref<2560xf32, #tpu.memory_space<hbm>>) target_semaphore(%arg20 : memref<!tpu.dma_semaphore, #tpu.memory_space<semaphore_mem>>)
    %add3A_159 = arith.constant 7680 : i32
    %add3A_160 = arith.addi %mul3A_2, %add3A_159 : i32
    %multiple_of3A_161 = tpu.assume_multiple %add3A_160, 128 : i32
    %dma_wait3A_162 = arith.constant 0 : i32
    %dma_wait3A_163 = tpu.memref_slice %arg4[%dma_wait3A_162, %multiple_of3A_161] : memref<1x327680xi32, #tpu.memory_space<hbm>> -> memref<1x2560xi32, #tpu.memory_space<hbm>>
    %dma_wait3A_164 = tpu.memref_squeeze %dma_wait3A_163 : memref<1x2560xi32, #tpu.memory_space<hbm>> -> memref<2560xi32, #tpu.memory_space<hbm>>
    %dma_wait3A_165 = tpu.memref_slice %arg4[%dma_wait3A_162, %multiple_of3A_161] : memref<1x327680xi32, #tpu.memory_space<hbm>> -> memref<1x2560xi32, #tpu.memory_space<hbm>>
    %dma_wait3A_166 = tpu.memref_squeeze %dma_wait3A_165 : memref<1x2560xi32, #tpu.memory_space<hbm>> -> memref<2560xi32, #tpu.memory_space<hbm>>
    tpu.wait_dma2 semaphore(%arg19 : memref<!tpu.dma_semaphore, #tpu.memory_space<semaphore_mem>>) src(%dma_wait3A_166 : memref<2560xi32, #tpu.memory_space<hbm>>) dst(%arg11 : memref<2560xi32, #tpu.memory_space<vmem>>)
    %add3A_167 = arith.constant 7680 : i32
    %add3A_168 = arith.addi %mul3A_2, %add3A_167 : i32
    %multiple_of3A_169 = tpu.assume_multiple %add3A_168, 128 : i32
    %dma_wait3A_170 = arith.constant 0 : i32
    %dma_wait3A_171 = tpu.memref_slice %arg5[%dma_wait3A_170, %multiple_of3A_169] : memref<1x327680xi32, #tpu.memory_space<hbm>> -> memref<1x2560xi32, #tpu.memory_space<hbm>>
    %dma_wait3A_172 = tpu.memref_squeeze %dma_wait3A_171 : memref<1x2560xi32, #tpu.memory_space<hbm>> -> memref<2560xi32, #tpu.memory_space<hbm>>
    %dma_wait3A_173 = tpu.memref_slice %arg5[%dma_wait3A_170, %multiple_of3A_169] : memref<1x327680xi32, #tpu.memory_space<hbm>> -> memref<1x2560xi32, #tpu.memory_space<hbm>>
    %dma_wait3A_174 = tpu.memref_squeeze %dma_wait3A_173 : memref<1x2560xi32, #tpu.memory_space<hbm>> -> memref<2560xi32, #tpu.memory_space<hbm>>
    tpu.wait_dma2 semaphore(%arg19 : memref<!tpu.dma_semaphore, #tpu.memory_space<semaphore_mem>>) src(%dma_wait3A_174 : memref<2560xi32, #tpu.memory_space<hbm>>) dst(%arg13 : memref<2560xi32, #tpu.memory_space<vmem>>)
    %dma_wait3A_175 = tpu.memref_slice %arg6[%multiple_of3A_100] : memref<327680xf32, #tpu.memory_space<hbm>> -> memref<2560xf32, #tpu.memory_space<hbm>>
    %dma_wait3A_176 = tpu.memref_slice %arg6[%multiple_of3A_100] : memref<327680xf32, #tpu.memory_space<hbm>> -> memref<2560xf32, #tpu.memory_space<hbm>>
    tpu.wait_dma2 semaphore(%arg21 : memref<!tpu.dma_semaphore, #tpu.memory_space<semaphore_mem>>) src(%arg15 : memref<2560xf32, #tpu.memory_space<vmem>>) dst(%dma_wait3A_176 : memref<2560xf32, #tpu.memory_space<hbm>>)
    %dma_wait3A_177 = tpu.memref_slice %arg7[%multiple_of3A_105] : memref<327680xf32, #tpu.memory_space<hbm>> -> memref<2560xf32, #tpu.memory_space<hbm>>
    %dma_wait3A_178 = tpu.memref_slice %arg7[%multiple_of3A_105] : memref<327680xf32, #tpu.memory_space<hbm>> -> memref<2560xf32, #tpu.memory_space<hbm>>
    tpu.wait_dma2 semaphore(%arg21 : memref<!tpu.dma_semaphore, #tpu.memory_space<semaphore_mem>>) src(%arg17 : memref<2560xf32, #tpu.memory_space<vmem>>) dst(%dma_wait3A_178 : memref<2560xf32, #tpu.memory_space<hbm>>)
    %broadcast_in_dim3A_179 = arith.constant 0 : i32
    %broadcast_in_dim3A_180 = vector.broadcast %broadcast_in_dim3A_179 : i32 to vector<16xi32>
    %parallel_loop3A_181 = arith.constant 0 : i32
    %parallel_loop3A_182 = arith.constant 2560 : i32
    %parallel_loop3A_183 = arith.constant 16 : i32
    scf.for %parallel_loop3A_202 = %parallel_loop3A_181 to %parallel_loop3A_182 step %parallel_loop3A_183  : i32 {
      %parallel_loop3A_203 = arith.index_cast %parallel_loop3A_202 : i32 to index
      %parallel_loop3A_204 = tpu.vector_load %arg11[%parallel_loop3A_203] {strides = array<i32>} : memref<2560xi32, #tpu.memory_space<vmem>>, vector<16xi32>,
      %parallel_loop3A_205 = arith.constant 0 : i32
      %parallel_loop3A_206 = vector.broadcast %parallel_loop3A_205 : i32 to vector<16xi32>
      %parallel_loop3A_207 = arith.maxsi %parallel_loop3A_204, %parallel_loop3A_206 : vector<16xi32>
      %parallel_loop3A_208 = arith.constant 9999 : i32
      %parallel_loop3A_209 = vector.broadcast %parallel_loop3A_208 : i32 to vector<16xi32>
      %parallel_loop3A_210 = arith.minsi %parallel_loop3A_207, %parallel_loop3A_209 : vector<16xi32>
      %parallel_loop3A_211 = arith.index_cast %parallel_loop3A_202 : i32 to index
      %parallel_loop3A_212 = tpu.vector_load %arg13[%parallel_loop3A_211] {strides = array<i32>} : memref<2560xi32, #tpu.memory_space<vmem>>, vector<16xi32>,
      %parallel_loop3A_213 = arith.constant 0 : i32
      %parallel_loop3A_214 = vector.broadcast %parallel_loop3A_213 : i32 to vector<16xi32>
      %parallel_loop3A_215 = arith.maxsi %parallel_loop3A_212, %parallel_loop3A_214 : vector<16xi32>
      %parallel_loop3A_216 = arith.constant 9999 : i32
      %parallel_loop3A_217 = vector.broadcast %parallel_loop3A_216 : i32 to vector<16xi32>
      %parallel_loop3A_218 = arith.minsi %parallel_loop3A_215, %parallel_loop3A_217 : vector<16xi32>
      %parallel_loop3A_219 = tpu.vector_load_idx %arg8[%broadcast_in_dim3A_180, %parallel_loop3A_210] : memref<1x10240xf32, #tpu.memory_space<vmem>>[vector<16xi32>, vector<16xi32>], vector<16xf32>,
      %parallel_loop3A_220 = tpu.vector_load_idx %arg8[%broadcast_in_dim3A_180, %parallel_loop3A_218] : memref<1x10240xf32, #tpu.memory_space<vmem>>[vector<16xi32>, vector<16xi32>], vector<16xf32>,
      %parallel_loop3A_221 = tpu.vector_load_idx %arg9[%parallel_loop3A_210] : memref<10000xf32, #tpu.memory_space<vmem>>[vector<16xi32>], vector<16xf32>,
      %parallel_loop3A_222 = tpu.vector_load_idx %arg9[%parallel_loop3A_218] : memref<10000xf32, #tpu.memory_space<vmem>>[vector<16xi32>], vector<16xf32>,
      %parallel_loop3A_223 = arith.subf %parallel_loop3A_219, %parallel_loop3A_220 : vector<16xf32>
      %parallel_loop3A_224 = arith.index_cast %parallel_loop3A_202 : i32 to index
      %parallel_loop3A_225 = tpu.vector_load %arg15[%parallel_loop3A_224] {strides = array<i32>} : memref<2560xf32, #tpu.memory_space<vmem>>, vector<16xf32>,
      tpu.vector_store %arg15[%parallel_loop3A_224], %parallel_loop3A_223 {strides = array<i32>} : memref<2560xf32, #tpu.memory_space<vmem>>, vector<16xf32>,
      %parallel_loop3A_226 = arith.constant 2.000000e+00 : f32
      %parallel_loop3A_227 = vector.broadcast %parallel_loop3A_226 : f32 to vector<16xf32>
      %parallel_loop3A_228 = arith.mulf %parallel_loop3A_227, %parallel_loop3A_221 : vector<16xf32>
      %parallel_loop3A_229 = arith.mulf %parallel_loop3A_228, %parallel_loop3A_222 : vector<16xf32>
      %parallel_loop3A_230 = arith.addf %parallel_loop3A_221, %parallel_loop3A_222 : vector<16xf32>
      %parallel_loop3A_231 = arith.constant 9.99999993E-9 : f32
      %parallel_loop3A_232 = vector.broadcast %parallel_loop3A_231 : f32 to vector<16xf32>
      %parallel_loop3A_233 = arith.addf %parallel_loop3A_230, %parallel_loop3A_232 : vector<16xf32>
      %parallel_loop3A_234 = arith.divf %parallel_loop3A_229, %parallel_loop3A_233 : vector<16xf32>
      %parallel_loop3A_235 = arith.index_cast %parallel_loop3A_202 : i32 to index
      %parallel_loop3A_236 = tpu.vector_load %arg17[%parallel_loop3A_235] {strides = array<i32>} : memref<2560xf32, #tpu.memory_space<vmem>>, vector<16xf32>,
      tpu.vector_store %arg17[%parallel_loop3A_235], %parallel_loop3A_234 {strides = array<i32>} : memref<2560xf32, #tpu.memory_space<vmem>>, vector<16xf32>,
    } {sc.loop_unroll_factor = 8 : i64, sc.parallel_access}
    %add3A_184 = arith.constant 7680 : i32
    %add3A_185 = arith.addi %mul3A_2, %add3A_184 : i32
    %multiple_of3A_186 = tpu.assume_multiple %add3A_185, 128 : i32
    %dma_start3A_187 = tpu.memref_slice %arg6[%multiple_of3A_186] : memref<327680xf32, #tpu.memory_space<hbm>> -> memref<2560xf32, #tpu.memory_space<hbm>>
    %dma_start3A_188 = tpu.memref_slice %arg6[%multiple_of3A_186] : memref<327680xf32, #tpu.memory_space<hbm>> -> memref<2560xf32, #tpu.memory_space<hbm>>
    tpu.enqueue_dma source(%arg15 : memref<2560xf32, #tpu.memory_space<vmem>>) target(%dma_start3A_188 : memref<2560xf32, #tpu.memory_space<hbm>>) target_semaphore(%arg21 : memref<!tpu.dma_semaphore, #tpu.memory_space<semaphore_mem>>)
    %add3A_189 = arith.constant 7680 : i32
    %add3A_190 = arith.addi %mul3A_2, %add3A_189 : i32
    %multiple_of3A_191 = tpu.assume_multiple %add3A_190, 128 : i32
    %dma_start3A_192 = tpu.memref_slice %arg7[%multiple_of3A_191] : memref<327680xf32, #tpu.memory_space<hbm>> -> memref<2560xf32, #tpu.memory_space<hbm>>
    %dma_start3A_193 = tpu.memref_slice %arg7[%multiple_of3A_191] : memref<327680xf32, #tpu.memory_space<hbm>> -> memref<2560xf32, #tpu.memory_space<hbm>>
    tpu.enqueue_dma source(%arg17 : memref<2560xf32, #tpu.memory_space<vmem>>) target(%dma_start3A_193 : memref<2560xf32, #tpu.memory_space<hbm>>) target_semaphore(%arg21 : memref<!tpu.dma_semaphore, #tpu.memory_space<semaphore_mem>>)
    %dma_wait3A_194 = tpu.memref_slice %arg6[%multiple_of3A_151] : memref<327680xf32, #tpu.memory_space<hbm>> -> memref<2560xf32, #tpu.memory_space<hbm>>
    %dma_wait3A_195 = tpu.memref_slice %arg6[%multiple_of3A_151] : memref<327680xf32, #tpu.memory_space<hbm>> -> memref<2560xf32, #tpu.memory_space<hbm>>
    tpu.wait_dma2 semaphore(%arg20 : memref<!tpu.dma_semaphore, #tpu.memory_space<semaphore_mem>>) src(%arg14 : memref<2560xf32, #tpu.memory_space<vmem>>) dst(%dma_wait3A_195 : memref<2560xf32, #tpu.memory_space<hbm>>)
    %dma_wait3A_196 = tpu.memref_slice %arg7[%multiple_of3A_156] : memref<327680xf32, #tpu.memory_space<hbm>> -> memref<2560xf32, #tpu.memory_space<hbm>>
    %dma_wait3A_197 = tpu.memref_slice %arg7[%multiple_of3A_156] : memref<327680xf32, #tpu.memory_space<hbm>> -> memref<2560xf32, #tpu.memory_space<hbm>>
    tpu.wait_dma2 semaphore(%arg20 : memref<!tpu.dma_semaphore, #tpu.memory_space<semaphore_mem>>) src(%arg16 : memref<2560xf32, #tpu.memory_space<vmem>>) dst(%dma_wait3A_197 : memref<2560xf32, #tpu.memory_space<hbm>>)
    %dma_wait3A_198 = tpu.memref_slice %arg6[%multiple_of3A_186] : memref<327680xf32, #tpu.memory_space<hbm>> -> memref<2560xf32, #tpu.memory_space<hbm>>
    %dma_wait3A_199 = tpu.memref_slice %arg6[%multiple_of3A_186] : memref<327680xf32, #tpu.memory_space<hbm>> -> memref<2560xf32, #tpu.memory_space<hbm>>
    tpu.wait_dma2 semaphore(%arg21 : memref<!tpu.dma_semaphore, #tpu.memory_space<semaphore_mem>>) src(%arg15 : memref<2560xf32, #tpu.memory_space<vmem>>) dst(%dma_wait3A_199 : memref<2560xf32, #tpu.memory_space<hbm>>)
    %dma_wait3A_200 = tpu.memref_slice %arg7[%multiple_of3A_191] : memref<327680xf32, #tpu.memory_space<hbm>> -> memref<2560xf32, #tpu.memory_space<hbm>>
    %dma_wait3A_201 = tpu.memref_slice %arg7[%multiple_of3A_191] : memref<327680xf32, #tpu.memory_space<hbm>> -> memref<2560xf32, #tpu.memory_space<hbm>>
    tpu.wait_dma2 semaphore(%arg21 : memref<!tpu.dma_semaphore, #tpu.memory_space<semaphore_mem>>) src(%arg17 : memref<2560xf32, #tpu.memory_space<vmem>>) dst(%dma_wait3A_201 : memref<2560xf32, #tpu.memory_space<hbm>>)
    return
  }
}

module attributes {stable_mosaic.version = 14 : i64} {
  func.func @mk(%arg0: i32, %arg1: memref<2048x128xf32, #tpu.memory_space<vmem>>, %arg2: memref<2x65536xi32, #tpu.memory_space<vmem>>, %arg3: memref<4x32xf32, #tpu.memory_space<vmem>>, %arg4: memref<32xf32, #tpu.memory_space<vmem>>, %arg5: memref<1x32xf32, #tpu.memory_space<vmem>>, %arg6: memref<1xf32, #tpu.memory_space<vmem>>, %arg7: memref<1x2048xf32, #tpu.memory_space<vmem>>, %arg8: memref<1x65536xi32, #tpu.memory_space<vmem>>, %arg9: memref<1x65536xi32, #tpu.memory_space<vmem>>, %arg10: memref<5x32xf32, #tpu.memory_space<vmem>>, %arg11: memref<1x33xf32, #tpu.memory_space<vmem>>) attributes {dimension_semantics = [#tpu.dimension_semantics<parallel>], iteration_bounds = array<i64: 5>, scalar_prefetch = 0 : i64, scratch_operands = 0 : i64, tpu.core_type = #tpu.core_type<tc>, window_params = [{transform_indices = @transform_0, window_bounds = array<i64: 2048, 128>}, {transform_indices = @transform_1, window_bounds = array<i64: 2, 65536>}, {pipeline_mode = #tpu.pipeline_mode<synchronous>, transform_indices = @transform_2, window_bounds = array<i64: 4, 32>}, {pipeline_mode = #tpu.pipeline_mode<synchronous>, transform_indices = @transform_3, window_bounds = array<i64: 32>}, {pipeline_mode = #tpu.pipeline_mode<synchronous>, transform_indices = @transform_4, window_bounds = array<i64: 1, 32>}, {pipeline_mode = #tpu.pipeline_mode<synchronous>, transform_indices = @transform_5, window_bounds = array<i64: 1>}, {transform_indices = @transform_6, window_bounds = array<i64: 1, 2048>}, {transform_indices = @transform_7, window_bounds = array<i64: 1, 65536>}, {transform_indices = @transform_8, window_bounds = array<i64: 1, 65536>}, {pipeline_mode = #tpu.pipeline_mode<synchronous>, transform_indices = @transform_9, window_bounds = array<i64: 5, 32>}, {pipeline_mode = #tpu.pipeline_mode<synchronous>, transform_indices = @transform_10, window_bounds = array<i64: 1, 33>}]} {
    %get3A = arith.constant 0 : index
    %get3A_0 = arith.constant 0 : index
    %get3A_1 = vector.load %arg2[%get3A, %get3A_0] : memref<2x65536xi32, #tpu.memory_space<vmem>>, vector<2x65536xi32>
    %slice3A = vector.extract_strided_slice %get3A_1 {offsets = [0, 0], sizes = [1, 65536], strides = [1, 1]} : vector<2x65536xi32> to vector<1x65536xi32>
    %swap3A = arith.constant 0 : index
    %swap3A_2 = arith.constant 0 : index
    %swap3A_3 = vector.load %arg8[%swap3A, %swap3A_2] : memref<1x65536xi32, #tpu.memory_space<vmem>>, vector<1x65536xi32>
    tpu.vector_store %arg8[%swap3A, %swap3A_2], %slice3A {strides = array<i32>} : memref<1x65536xi32, #tpu.memory_space<vmem>>, vector<1x65536xi32>,
    %slice3A_4 = vector.extract_strided_slice %get3A_1 {offsets = [1, 0], sizes = [1, 65536], strides = [1, 1]} : vector<2x65536xi32> to vector<1x65536xi32>
    %swap3A_5 = arith.constant 0 : index
    %swap3A_6 = arith.constant 0 : index
    %swap3A_7 = vector.load %arg9[%swap3A_5, %swap3A_6] : memref<1x65536xi32, #tpu.memory_space<vmem>>, vector<1x65536xi32>
    tpu.vector_store %arg9[%swap3A_5, %swap3A_6], %slice3A_4 {strides = array<i32>} : memref<1x65536xi32, #tpu.memory_space<vmem>>, vector<1x65536xi32>,
    %broadcast_in_dim3A = arith.constant 1.000000e+00 : f32
    %broadcast_in_dim3A_8 = vector.broadcast %broadcast_in_dim3A : f32 to vector<1x128xf32>
    %get3A_9 = arith.constant 0 : index
    %get3A_10 = arith.constant 0 : index
    %get3A_11 = vector.load %arg1[%get3A_9, %get3A_10] : memref<2048x128xf32, #tpu.memory_space<vmem>>, vector<2048x128xf32>
    %dot_general3A = arith.constant dense<0.000000e+00> : vector<1x2048xf32>
    %dot_general3A_12 = tpu.matmul %broadcast_in_dim3A_8, %get3A_11, %dot_general3A {dimension_numbers = #tpu.dot_dimension_numbers<[1], [1], [0], [0], [0, 0, 1, 0], [], []>, transpose_lhs_hint = false} : vector<1x128xf32>, vector<2048x128xf32>, vector<1x2048xf32> -> vector<1x2048xf32>
    %mul3A = arith.constant 7.812500e-03 : f32
    %mul3A_13 = vector.broadcast %mul3A : f32 to vector<1x2048xf32>
    %mul3A_14 = arith.mulf %dot_general3A_12, %mul3A_13 : vector<1x2048xf32>
    %swap3A_15 = arith.constant 0 : index
    %swap3A_16 = arith.constant 0 : index
    %swap3A_17 = vector.load %arg7[%swap3A_15, %swap3A_16] : memref<1x2048xf32, #tpu.memory_space<vmem>>, vector<1x2048xf32>
    tpu.vector_store %arg7[%swap3A_15, %swap3A_16], %mul3A_14 {strides = array<i32>} : memref<1x2048xf32, #tpu.memory_space<vmem>>, vector<1x2048xf32>,
    %get3A_18 = arith.constant 0 : index
    %get3A_19 = arith.constant 0 : index
    %get3A_20 = vector.load %arg3[%get3A_18, %get3A_19] : memref<4x32xf32, #tpu.memory_space<vmem>>, vector<4x32xf32>
    %get3A_21 = arith.constant 0 : index
    %get3A_22 = vector.load %arg4[%get3A_21] : memref<32xf32, #tpu.memory_space<vmem>>, vector<32xf32>
    %reshape3A = vector.shape_cast %get3A_22 : vector<32xf32> to vector<1x32xf32>
    %concatenate3A = tpu.concatenate %get3A_20, %reshape3A in 0 : vector<4x32xf32>, vector<1x32xf32> -> vector<5x32xf32>
    %swap3A_23 = arith.constant 0 : index
    %swap3A_24 = arith.constant 0 : index
    %swap3A_25 = vector.load %arg10[%swap3A_23, %swap3A_24] : memref<5x32xf32, #tpu.memory_space<vmem>>, vector<5x32xf32>
    tpu.vector_store %arg10[%swap3A_23, %swap3A_24], %concatenate3A {strides = array<i32>} : memref<5x32xf32, #tpu.memory_space<vmem>>, vector<5x32xf32>,
    %get3A_26 = arith.constant 0 : index
    %get3A_27 = arith.constant 0 : index
    %get3A_28 = vector.load %arg5[%get3A_26, %get3A_27] : memref<1x32xf32, #tpu.memory_space<vmem>>, vector<1x32xf32>
    %get3A_29 = arith.constant 0 : index
    %get3A_30 = vector.load %arg6[%get3A_29] : memref<1xf32, #tpu.memory_space<vmem>>, vector<1xf32>
    %reshape3A_31 = vector.shape_cast %get3A_30 : vector<1xf32> to vector<1x1xf32>
    %concatenate3A_32 = tpu.concatenate %get3A_28, %reshape3A_31 in 1 : vector<1x32xf32>, vector<1x1xf32> -> vector<1x33xf32>
    %swap3A_33 = arith.constant 0 : index
    %swap3A_34 = arith.constant 0 : index
    %swap3A_35 = vector.load %arg11[%swap3A_33, %swap3A_34] : memref<1x33xf32, #tpu.memory_space<vmem>>, vector<1x33xf32>
    tpu.vector_store %arg11[%swap3A_33, %swap3A_34], %concatenate3A_32 {strides = array<i32>} : memref<1x33xf32, #tpu.memory_space<vmem>>, vector<1x33xf32>,
    return
  }
  func.func @transform_0(%arg0: i32) -> (i32, i32) {
    %c0_i32 = arith.constant 0 : i32
    %c0_i32_0 = arith.constant 0 : i32
    return %arg0, %c0_i32 : i32, i32
  }
  func.func @transform_1(%arg0: i32) -> (i32, i32) {
    %c0_i32 = arith.constant 0 : i32
    %c0_i32_0 = arith.constant 0 : i32
    return %c0_i32, %arg0 : i32, i32
  }
  func.func @transform_2(%arg0: i32) -> (i32, i32) {
    %c0_i32 = arith.constant 0 : i32
    %c0_i32_0 = arith.constant 0 : i32
    %c0_i32_1 = arith.constant 0 : i32
    return %c0_i32, %c0_i32_0 : i32, i32
  }
  func.func @transform_3(%arg0: i32) -> i32 {
    %c0_i32 = arith.constant 0 : i32
    %c0_i32_0 = arith.constant 0 : i32
    return %c0_i32 : i32
  }
  func.func @transform_4(%arg0: i32) -> (i32, i32) {
    %c0_i32 = arith.constant 0 : i32
    %c0_i32_0 = arith.constant 0 : i32
    %c0_i32_1 = arith.constant 0 : i32
    return %c0_i32, %c0_i32_0 : i32, i32
  }
  func.func @transform_5(%arg0: i32) -> i32 {
    %c0_i32 = arith.constant 0 : i32
    %c0_i32_0 = arith.constant 0 : i32
    return %c0_i32 : i32
  }
  func.func @transform_6(%arg0: i32) -> (i32, i32) {
    %c0_i32 = arith.constant 0 : i32
    %c0_i32_0 = arith.constant 0 : i32
    return %c0_i32, %arg0 : i32, i32
  }
  func.func @transform_7(%arg0: i32) -> (i32, i32) {
    %c0_i32 = arith.constant 0 : i32
    %c0_i32_0 = arith.constant 0 : i32
    return %c0_i32, %arg0 : i32, i32
  }
  func.func @transform_8(%arg0: i32) -> (i32, i32) {
    %c0_i32 = arith.constant 0 : i32
    %c0_i32_0 = arith.constant 0 : i32
    return %c0_i32, %arg0 : i32, i32
  }
  func.func @transform_9(%arg0: i32) -> (i32, i32) {
    %c0_i32 = arith.constant 0 : i32
    %c0_i32_0 = arith.constant 0 : i32
    %c0_i32_1 = arith.constant 0 : i32
    return %c0_i32, %c0_i32_0 : i32, i32
  }
  func.func @transform_10(%arg0: i32) -> (i32, i32) {
    %c0_i32 = arith.constant 0 : i32
    %c0_i32_0 = arith.constant 0 : i32
    %c0_i32_1 = arith.constant 0 : i32
    return %c0_i32, %c0_i32_0 : i32, i32
  }
}

module attributes {stable_mosaic.version = 14 : i64} {
  func.func @mk(%arg0: i32, %arg1: memref<65536xf32, #tpu.memory_space<vmem>>, %arg2: memref<65536xf32, #tpu.memory_space<vmem>>, %arg3: memref<4x65536xf32, #tpu.memory_space<vmem>>, %arg4: memref<5x32xf32, #tpu.memory_space<vmem>>, %arg5: memref<1x33xf32, #tpu.memory_space<vmem>>, %arg6: memref<1x65536xf32, #tpu.memory_space<vmem>>) attributes {dimension_semantics = [#tpu.dimension_semantics<parallel>], iteration_bounds = array<i64: 5>, scalar_prefetch = 0 : i64, scratch_operands = 0 : i64, tpu.core_type = #tpu.core_type<tc>, window_params = [{transform_indices = @transform_0, window_bounds = array<i64: 65536>}, {transform_indices = @transform_1, window_bounds = array<i64: 65536>}, {transform_indices = @transform_2, window_bounds = array<i64: 4, 65536>}, {pipeline_mode = #tpu.pipeline_mode<synchronous>, transform_indices = @transform_3, window_bounds = array<i64: 5, 32>}, {pipeline_mode = #tpu.pipeline_mode<synchronous>, transform_indices = @transform_4, window_bounds = array<i64: 1, 33>}, {transform_indices = @transform_5, window_bounds = array<i64: 1, 65536>}]} {
    %get3A = arith.constant 0 : index
    %get3A_0 = vector.load %arg1[%get3A] : memref<65536xf32, #tpu.memory_space<vmem>>, vector<65536xf32>
    %reshape3A = vector.shape_cast %get3A_0 : vector<65536xf32> to vector<1x65536xf32>
    %get3A_1 = arith.constant 0 : index
    %get3A_2 = vector.load %arg2[%get3A_1] : memref<65536xf32, #tpu.memory_space<vmem>>, vector<65536xf32>
    %reshape3A_3 = vector.shape_cast %get3A_2 : vector<65536xf32> to vector<1x65536xf32>
    %get3A_4 = arith.constant 0 : index
    %get3A_5 = arith.constant 0 : index
    %get3A_6 = vector.load %arg3[%get3A_4, %get3A_5] : memref<4x65536xf32, #tpu.memory_space<vmem>>, vector<4x65536xf32>
    %broadcast_in_dim3A = arith.constant 1.000000e+00 : f32
    %broadcast_in_dim3A_7 = vector.broadcast %broadcast_in_dim3A : f32 to vector<1x65536xf32>
    %slice3A = vector.extract_strided_slice %get3A_6 {offsets = [0, 0], sizes = [1, 65536], strides = [1, 1]} : vector<4x65536xf32> to vector<1x65536xf32>
    %slice3A_8 = vector.extract_strided_slice %get3A_6 {offsets = [1, 0], sizes = [1, 65536], strides = [1, 1]} : vector<4x65536xf32> to vector<1x65536xf32>
    %concatenate3A = tpu.concatenate %reshape3A, %slice3A, %slice3A_8, %reshape3A_3, %broadcast_in_dim3A_7 in 0 : vector<1x65536xf32>, vector<1x65536xf32>, vector<1x65536xf32>, vector<1x65536xf32>, vector<1x65536xf32> -> vector<5x65536xf32>
    %get3A_9 = arith.constant 0 : index
    %get3A_10 = arith.constant 0 : index
    %get3A_11 = vector.load %arg4[%get3A_9, %get3A_10] : memref<5x32xf32, #tpu.memory_space<vmem>>, vector<5x32xf32>
    %dot_general3A = arith.constant dense<0.000000e+00> : vector<32x65536xf32>
    %dot_general3A_12 = tpu.matmul %get3A_11, %concatenate3A, %dot_general3A {dimension_numbers = #tpu.dot_dimension_numbers<[0], [0], [1], [1], [0, 1, 1, 1], [], []>, transpose_lhs_hint = false} : vector<5x32xf32>, vector<5x65536xf32>, vector<32x65536xf32> -> vector<32x65536xf32>
    %max3A = arith.constant 0.000000e+00 : f32
    %max3A_13 = vector.broadcast %max3A : f32 to vector<32x65536xf32>
    %max3A_14 = arith.maximumf %dot_general3A_12, %max3A_13 : vector<32x65536xf32>
    %concatenate3A_15 = tpu.concatenate %max3A_14, %broadcast_in_dim3A_7 in 0 : vector<32x65536xf32>, vector<1x65536xf32> -> vector<33x65536xf32>
    %get3A_16 = arith.constant 0 : index
    %get3A_17 = arith.constant 0 : index
    %get3A_18 = vector.load %arg5[%get3A_16, %get3A_17] : memref<1x33xf32, #tpu.memory_space<vmem>>, vector<1x33xf32>
    %dot_general3A_19 = arith.constant dense<0.000000e+00> : vector<1x65536xf32>
    %dot_general3A_20 = tpu.matmul %get3A_18, %concatenate3A_15, %dot_general3A_19 {dimension_numbers = #tpu.dot_dimension_numbers<[1], [0], [0], [1], [0, 0, 1, 1], [], []>, transpose_lhs_hint = false} : vector<1x33xf32>, vector<33x65536xf32>, vector<1x65536xf32> -> vector<1x65536xf32>
    %swap3A = arith.constant 0 : index
    %swap3A_21 = arith.constant 0 : index
    %swap3A_22 = vector.load %arg6[%swap3A, %swap3A_21] : memref<1x65536xf32, #tpu.memory_space<vmem>>, vector<1x65536xf32>
    tpu.vector_store %arg6[%swap3A, %swap3A_21], %dot_general3A_20 {strides = array<i32>} : memref<1x65536xf32, #tpu.memory_space<vmem>>, vector<1x65536xf32>,
    return
  }
  func.func @transform_0(%arg0: i32) -> i32 {
    %c0_i32 = arith.constant 0 : i32
    return %arg0 : i32
  }
  func.func @transform_1(%arg0: i32) -> i32 {
    %c0_i32 = arith.constant 0 : i32
    return %arg0 : i32
  }
  func.func @transform_2(%arg0: i32) -> (i32, i32) {
    %c0_i32 = arith.constant 0 : i32
    %c0_i32_0 = arith.constant 0 : i32
    return %c0_i32, %arg0 : i32, i32
  }
  func.func @transform_3(%arg0: i32) -> (i32, i32) {
    %c0_i32 = arith.constant 0 : i32
    %c0_i32_0 = arith.constant 0 : i32
    %c0_i32_1 = arith.constant 0 : i32
    return %c0_i32, %c0_i32_0 : i32, i32
  }
  func.func @transform_4(%arg0: i32) -> (i32, i32) {
    %c0_i32 = arith.constant 0 : i32
    %c0_i32_0 = arith.constant 0 : i32
    %c0_i32_1 = arith.constant 0 : i32
    return %c0_i32, %c0_i32_0 : i32, i32
  }
  func.func @transform_5(%arg0: i32) -> (i32, i32) {
    %c0_i32 = arith.constant 0 : i32
    %c0_i32_0 = arith.constant 0 : i32
    return %c0_i32, %arg0 : i32, i32
  }
}

</mosaic_0001>

<sc_bundles>
// kernel: kernel.5.cloned.1.call-start
scs
__scs_entry_jumppad:
0x0: {  	(pc) =	sbr.rel $0x88, $3  }
0x1: {  	(tag) =	ssettag $0x0;
	lr =	simm.s32 $0x1  }
0x2: {  	[smem:$0x3F99] =	sst lr;
	_ =	strace $0xD0000000  }
0x3: {  	_ = 	snop  }
0x4: {  	_ = 	snop  }
0x5: {  	_ = 	snop  }
0x6: {  	_ = 	snop  }
0x7: {  	_ = 	snop  }
__scs_overlays_trampoline_lowered:
0x8: {  	[smem:$0x3FA8] =	sst s0  }
0x9: {  	[smem:$0x3FA9] =	sst s1  }
0xa: {  	[smem:$0x3FAA] =	sst s2  }
0xb: {  	[smem:$0x3FAB] =	sst s3  }
0xc: {  	[smem:$0x3FAC] =	sst s4  }
0xd: {  	[smem:$0x3FAD] =	sst s5  }
0xe: {  	[smem:$0x3FAE] =	sst s6  }
0xf: {  	[smem:$0x3FAF] =	sst s7  }
0x10: {  	[smem:$0x3FB0] =	sst s8  }
0x11: {  	[smem:$0x3FB1] =	sst s9;
	s0 =	simm.s32 @!p0 $0x0  }
0x12: {  	s1 =	sld [smem:$0x3F97];
	s0 =	simm.s32 @p0 $0x1  }
0x13: {  	[smem:$0x3FB2] =	sst s0;
	s0 =	simm.s32 @!p1 $0x0  }
0x14: {  	s2 =	sld [smem:$0x3F96];
	s0 =	simm.s32 @p1 $0x1  }
0x15: {  	[smem:$0x3FB3] =	sst s0;
	s0 =	simm.s32 @!p2 $0x0  }
0x16: {  	s3 =	sld [smem:$0x3FDB];
	s0 =	simm.s32 @p2 $0x1  }
0x17: {  	s4 =	simm.s32 $0x1BF5;
	[smem:$0x3FB5] =	sst s0  }
0x18: {  	s0 =	sld [smem:$0x3F98];
	_ =	swait.ge [sflag:s4], $0x0  }
0x19: {  	s7 =	sld [smem:$0x3F99]  }
0x1a: {  	s8 =	sadd.s32 $0xFFFFE003, lr  }
0x1b: {  	s9 =	sadd.s32 $0xFFFFFEF7, lr;
	s5 =	simm.s32 $0xFFFFFFFF;
	p2 =	slt.u32 s8, $0xFFFFF086  }
0x1c: {  	p1 =	slt.u32 s9, $0xF7A;
	s5 =	simm.s32 @!p2 $0x0  }
0x1d: {  	s5 =	simm.s32 @p1 $0x1;
	p0 =	seq.s32 s7, s2  }
0x1e: {  	s7 =	smul.u32 @!p0 $0xF7A, s2;
	p2 =	seq.s32 @!p0 s5, $0x0  }
0x1f: {  	s9 =	smul.u32 $0xF7A, s1;
	s8 =	simm.s32 @!p0 $0x1BF5;
	p2 =	por !p2, p0  }
0x20: {  	[sflag:s8] =	ssyncset.s32 @!p0 $0xFFFFF086;
	s6 =	sadd.s32 @!p0 s3, s7;
	s7 =	simm.s32 @!p0 $0x108  }
0x21: {  	s3 =	sadd.s32 s3, s9;
	s6 =	sadd.s32 @!p0 $0x88, s6;
	s7 =	simm.s32 @p2 $0x1082  }
0x22: {  	[simem:s7], [sflag:s8] =	dma.local @!p0 [hbm:s6], $0xF7A  }
0x23: {  	s9 =	sor.u32 $0xD0000000, s2;
	s6 =	simm.s32 $0x108;
	_ =	swait.ge @!p0 [sflag:s8], $0x0  }
0x24: {  	s3 =	sadd.s32 $0x88, s3;
	s6 =	simm.s32 @!p1 $0x1082;
	[sflag:s4] =	ssyncset.s32 $0xFFFFF086  }
0x25: {  	[simem:s6], [sflag:s4] =	dma.local [hbm:s3], $0xF7A  }
0x26: {  	[smem:$0x3F99] =	sst s1;
	(tag) =	ssettag s2;
	_ =	strace s9  }
0x27: {  	s1 =	sld [smem:$0x3FA9]  }
0x28: {  	s2 =	sld [smem:$0x3FAA]  }
0x29: {  	s4 =	sld [smem:$0x3FAC]  }
0x2a: {  	p0 =	seq.s32 s5, $0x0;
	s5 =	sld [smem:$0x3FAD]  }
0x2b: {  	s6 =	sld [smem:$0x3FAE]  }
0x2c: {  	s7 =	sld [smem:$0x3FAF]  }
0x2d: {  	s3 =	simm.s32 $0x108;
	s8 =	sld [smem:$0x3FB0]  }
0x2e: {  	s3 =	simm.s32 @!p0 $0x1082;
	s9 =	sld [smem:$0x3FB1]  }
0x2f: {  	lr =	sadd.s32 s0, s3;
	s0 =	sld [smem:$0x3FA8]  }
0x30: {  	s3 =	sld [smem:$0x3FAB]  }
0x31: {  	[smem:$0x3FB4] =	sst s10  }
0x32: {  	s10 =	sld [smem:$0x3FB2];
	_ =	sdelay $0x3  }
0x33: {  	p0 =	seq.s32 s10, $0x1;
	s10 =	sld [smem:$0x3FB4];
	_ =	sdelay $0x3  }
0x34: {  	[smem:$0x3FB4] =	sst s10  }
0x35: {  	s10 =	sld [smem:$0x3FB3];
	_ =	sdelay $0x3  }
0x36: {  	p1 =	seq.s32 s10, $0x1;
	s10 =	sld [smem:$0x3FB4];
	_ =	sdelay $0x3  }
0x37: {  	[smem:$0x3FB4] =	sst s10  }
0x38: {  	s10 =	sld [smem:$0x3FB5]  }
0x39: {  	_ = 	snop;
	(pc) =	sbr.ind lr, $3  }
0x3a: {  	_ = 	snop  }
0x3b: {  	_ = 	snop  }
0x3c: {  	p2 =	seq.s32 s10, $0x1;
	s10 =	sld [smem:$0x3FB4]  }
0x3d: {  	_ =	shalt  }
0x3e: {  	_ =	shalt  }
0x3f: {  	_ =	shalt  }
0x40: {  	_ =	shalt  }
0x41: {  	_ =	shalt  }
0x42: {  	_ =	shalt  }
0x43: {  	_ =	shalt  }
0x44: {  	_ =	shalt  }
0x45: {  	_ =	shalt  }
0x46: {  	_ =	shalt  }
0x47: {  	_ =	shalt  }
0x48: {  	_ =	shalt  }
0x49: {  	_ =	shalt  }
0x4a: {  	_ =	shalt  }
0x4b: {  	_ =	shalt  }
0x4c: {  	_ =	shalt  }
0x4d: {  	_ =	shalt  }
0x4e: {  	_ =	shalt  }
0x4f: {  	_ =	shalt  }
0x50: {  	_ =	shalt  }
0x51: {  	_ =	shalt  }
0x52: {  	_ =	shalt  }
0x53: {  	_ =	shalt  }
0x54: {  	_ =	shalt  }
0x55: {  	_ =	shalt  }
0x56: {  	_ =	shalt  }
0x57: {  	_ =	shalt  }
0x58: {  	_ =	shalt  }
0x59: {  	_ =	shalt  }
0x5a: {  	_ =	shalt  }
0x5b: {  	_ =	shalt  }
0x5c: {  	_ =	shalt  }
0x5d: {  	_ =	shalt  }
0x5e: {  	_ =	shalt  }
0x5f: {  	_ =	shalt  }
0x60: {  	_ =	shalt  }
0x61: {  	_ =	shalt  }
0x62: {  	_ =	shalt  }
0x63: {  	_ =	shalt  }
0x64: {  	_ =	shalt  }
0x65: {  	_ =	shalt  }
0x66: {  	_ =	shalt  }
0x67: {  	_ =	shalt  }
0x68: {  	_ =	shalt  }
0x69: {  	_ =	shalt  }
0x6a: {  	_ =	shalt  }
0x6b: {  	_ =	shalt  }
0x6c: {  	_ =	shalt  }
0x6d: {  	_ =	shalt  }
0x6e: {  	_ =	shalt  }
0x6f: {  	_ =	shalt  }
0x70: {  	_ =	shalt  }
0x71: {  	_ =	shalt  }
0x72: {  	_ =	shalt  }
0x73: {  	_ =	shalt  }
0x74: {  	_ =	shalt  }
0x75: {  	_ =	shalt  }
0x76: {  	_ =	shalt  }
0x77: {  	_ =	shalt  }
0x78: {  	_ =	shalt  }
0x79: {  	_ =	shalt  }
0x7a: {  	_ =	shalt  }
0x7b: {  	_ =	shalt  }
0x7c: {  	_ =	shalt  }
0x7d: {  	_ =	shalt  }
0x7e: {  	_ =	shalt  }
0x7f: {  	_ =	shalt  }
0x80: {  	_ =	shalt  }
0x81: {  	_ =	shalt  }
0x82: {  	_ =	shalt  }
0x83: {  	_ =	shalt  }
0x84: {  	_ =	shalt  }
0x85: {  	_ =	shalt  }
0x86: {  	_ =	shalt  }
0x87: {  	_ =	shalt  }
.Lfunc_end0:
.L_simem_size_0:
called_computation_lowered:
.L_overlay_start_0:
0x88: {  	s2 =	sld [smem:$0x3FD9]  }
0x89: {  	s3 =	sld [smem:$0x3FFE];
	_ =	sdelay $0x1  }
0x8a: {  	s1 =	srdreg.scid  }
0x8b: {  	s0 =	sand.u32 $0x1, s1  }
0x8c: {  	s17 =	sshll.u32 s0, $0xA;
	s2 =	sadd.s32 s3, s2  }
0x8d: {  	s2 =	sadd.s32 s2, s17  }
0x8e: {  	[smem:$0x3FC0] =	sst s2  }
0x8f: {  	_ = 	snop  }
0x90: {  	s2 =	sld [smem:$0x3FC6]  }
0x91: {  	s18 =	sld [smem:$0x3FD0];
	(tm) =	ssettm $0x1  }
0x92: {  	s4 =	sld [smem:$0x3FFB];
	_ =	sdelay $0x3  }
0x93: {  	_ =	strace s4  }
0x94: {  	s4 =	sld [smem:$0x3FFC];
	_ =	sdelay $0x3  }
0x95: {  	_ =	strace s4  }
0x96: {  	s4 =	sld [smem:$0x3FFD];
	_ =	sdelay $0x3  }
0x97: {  	_ =	strace s4  }
0x98: {  	_ =	strace $0x8FFFFFFF  }
0x99: {  	s19 =	sld [smem:$0x3FDB];
	_ =	sdelay $0x1  }
0x9a: {  	s5 =	simm.s32 $_scs_section_size  }
0x9b: {  	s6 =	simm.s32 $_size__tile_overlayer_lowered;
	s7 =	simm.s32 $_tile_overlayer_lowered  }
0x9c: {  	s22 =	simm.s32 $0x1BFF;
	s21 =	sshll.u32 s7, $0x1;
	s4 =	sadd.s32 s5, s19  }
0x9d: {  	s8 =	simm.s32 $0x0;
	s20 =	sshll.u32 s6, $0x1;
	s6 =	sadd.s32 s21, s4  }
0x9e: {  	[timem:s8], [sflag:s22] =	dma.local [hbm:s6], s20  }
0x9f: {  	_ =	swait.ge [sflag:s22], s20  }
0xa0: {  	s5 =	ssub.s32 $0x0, s20;
	[sflag:s22] =	ssyncset.done $0x0  }
0xa1: {  	[sflag:s22] =	ssyncadd.s32 s5;
	_ =	sdelay $0x1  }
0xa2: {  	s23 =	simm.s32 $0x1B8B  }
0xa3: {  	_ =	swait.ge [sflag:s23], $0x1  }
0xa4: {  	[sflag:s23] =	ssyncset.done $0x0  }
0xa5: {  	s25 =	simm.s32 $0x1B8E;
	s24 =	sld [smem:$0x3FFE];
	[sflag:s23] =	ssyncadd.s32 $0xFFFFFFFF  }
0xa6: {  	s26 =	simm.s32 $execute0_lowered;
	[smem:$0x3FD2] =	sst s25  }
0xa7: {  	s6 =	sshll.u32 s26, $0x1;
	_ =	strace $0x80000046;
	[dreg:$0x1] =	wrdreg $0xFFFFFFFF  }
0xa8: {  	s28 =	simm.s32 $_size_execute0_lowered;
	s4 =	sadd.s32 s4, s6;
	[dreg:$0x0] =	wrdreg $0x0  }
0xa9: {  	s6 =	sshll.u32 s28, $0x1;
	[dreg:$0x2] =	wrdreg s4  }
0xaa: {  	[dreg:$0x3] =	wrdreg s6  }
0xab: {  	[dreg:$0x4] =	wrdreg $0xC0  }
0xac: {  	_ =	task [dreg:s8], $0x5FFFF  }
0xad: {  	[dreg:$0x1] =	wrdreg $0xFFFFFFFF  }
0xae: {  	[dreg:$0x0] =	wrdreg $0x60  }
0xaf: {  	[dreg:$0x2] =	wrdreg s18  }
0xb0: {  	[dreg:$0x3] =	wrdreg s2  }
0xb1: {  	[dreg:$0x4] =	wrdreg s24  }
0xb2: {  	[dreg:$0x5] =	wrdreg $0x9  }
0xb3: {  	_ =	task.clear_ibuf [dreg:s8], $0x6FFFF;
	_ =	strace $0x90000046  }
0xb4: {  	s29 =	simm.s32 $0x9;
	_ =	strace $0x80000048  }
0xb5: {  	_ =	swait.ge [sflag:s29], $0x1  }
0xb6: {  	[sflag:s29] =	ssyncadd.s32 $0xFFFFFFFF  }
0xb7: {  	_ =	strace $0x90000048  }
0xb8: {  	_ =	sfence  }
0xb9: {  	s30 =	sld [smem:$0x0];
	_ =	sdelay $0x2  }
0xba: {  	s31 =	sshll.u32 s1, $0xD;
	s1 =	sshrl.u32 s1, $0x2  }
0xbb: {  	s3 =	sand.u32 $0x4000, s31;
	s1 =	sadd.s32 s1, s30  }
0xbc: {  	s0 =	sor.u32 s3, s0;
	s1 =	sshll.u32 s1, $0x11  }
0xbd: {  	s0 =	sor.u32 s1, s0  }
0xbe: {  	s0 =	sadd.s32 $0x8F2B, s0  }
0xbf: {  	[sflag:s0] =	ssyncadd.remote.s32 $0x1  }
0xc0: {  	_ =	sfence.sel $0xFFFF  }
0xc1: {  	[dreg:$0x0] =	wrdreg $0xFFFFFFFF;
	(pc) =	sbr.abs _section_cstart, $3  }
0xc2: {  	[dreg:$0x1] =	wrdreg $0xFFFFFFFF  }
0xc3: {  	_ =	task.clear_ibuf [dreg:s8], $0x2FFFF;
	_ =	strace $0x9FFFFFFF  }
0xc4: {  	(tm) =	ssettm $0x7FFFFFFF  }
0xc5: {  	_ =	shalt  }
tec
execute0_lowered:
.L_overlay_start_1:
0x0: {  	(tag) =	ssettag $0x1  }
0x1: {  	s0 =	rddreg [dreg:$0x2]  }
0x2: {  	s1 =	srdreg.scid;
	s2 =	stileid.u32  }
0x3: {  	s4 =	simm.s32 $0x0;
	s22 =	simm.s32 $0x5;
	s23 =	simm.s32 $0x2800  }
0x4: {  	s29 =	simm.s32 $0x1;
	s24 =	simm.s32 $0x4;
	s25 =	simm.s32 $0x0  }
0x5: {  	s1 =	sand.u32 $0x1, s1;
	s2 =	sshll.u32 s2, $0x1;
	[smem:$0x7FF] =	sst s4  }
0x6: {  	s3 =	sadd.s32 $0x2600, s0;
	s2 =	sor.u32 s1, s2;
	s1 =	ssub.s32 $0x2, s1  }
0x7: {  	s5 =	sadd.s32 $0xC600, s0;
	s2 =	smul.u32 $0x2800, s2;
	s7 =	sshrl.u32 s1, $0x1  }
0x8: {  	s6 =	sadd.s32 $0x16600, s0;
	s0 =	sadd.s32 $0x20600, s0;
	s1 =	ssub.s32 s1, s7  }
0x9: {  	_ =	strace $0x80000047;
	s2 =	sshrl.u32 s2, $0x3;
	s21 =	smax.u32 s1, $0x1  }
0xa: {  	s1 =	simm.s32 $0x9580;
	s30 =	sadd.s32 s3, s2;
	s14 =	sadd.s32 $0x140, s2  }
0xb: {  	s31 =	sadd.s32 s5, s2;
	s9 =	sadd.s32 s6, s2;
	s10 =	sadd.s32 s0, s2  }
0xc: {  	s18 =	sadd.s32 $0x280, s2;
	s2 =	sadd.s32 $0x3C0, s2;
	[dreg:$0x4] =	wrdreg s30  }
0xd: {  	[dreg:$0x5] =	wrdreg s31;
	s7 =	sadd.s32 s3, s14;
	s8 =	sadd.s32 s5, s14  }
0xe: {  	s11 =	sadd.s32 s3, s18;
	s12 =	sadd.s32 s5, s18;
	s13 =	sadd.s32 s6, s14  }
0xf: {  	s14 =	sadd.s32 s0, s14;
	s15 =	sadd.s32 s3, s2;
	s16 =	sadd.s32 s5, s2  }
0x10: {  	s17 =	sadd.s32 s6, s18;
	s18 =	sadd.s32 s0, s18;
	s19 =	sadd.s32 s6, s2  }
0x11: {  	s20 =	sadd.s32 s0, s2;
	s0 =	simm.s32 $0x2;
	s3 =	simm.s32 $0x3  }
.LBB2_1:
0x12: {  	s2 =	rddreg [dreg:$0x0]  }
0x13: {  	[tilespmem:s4], [sflag:$0x5] =	stream.linear.gather [hbm4b:s2+s4], $0x2800, $0x38;
	[tilespmem:$0x9F80] =	vst v63  }
0x14: {  	_ =	swait.ge [sflag:s22], $0x2800  }
0x15: {  	[sflag:s22] =	ssyncset.done $0x0  }
0x16: {  	[sflag:s22] =	ssyncadd.s32 $0xFFFFD800  }
0x17: {  	s6 =	rddreg [dreg:$0x1]  }
0x18: {  	[tilespmem:s23], [sflag:$0x5] =	stream.linear.gather [hbm4b:s6+s4], $0x2780, $0x38;
	[tilespmem:$0x9F80] =	vst v63  }
0x19: {  	_ =	swait.ge [sflag:s22], $0x2780  }
0x1a: {  	[sflag:s22] =	ssyncset.done $0x0  }
0x1b: {  	s5 =	simm.s32 $0x4F80;
	s26 =	rddreg [dreg:$0x4];
	[sflag:s22] =	ssyncadd.s32 $0xFFFFD880  }
0x1c: {  	[tilespmem:s5], [sflag:$0x1] =	stream.linear.gather [hbm4b:s26+s4], $0xA00, $0x38;
	[tilespmem:$0x9F80] =	vst v63  }
0x1d: {  	s6 =	simm.s32 $0x6380;
	s5 =	rddreg [dreg:$0x5]  }
0x1e: {  	[tilespmem:s6], [sflag:$0x1] =	stream.linear.gather [hbm4b:s5+s4], $0xA00, $0x38;
	[tilespmem:$0x9F80] =	vst v63  }
0x1f: {  	s26 =	simm.s32 $0x5980  }
0x20: {  	[tilespmem:s26], [sflag:$0x2] =	stream.linear.gather [hbm4b:s7+s4], $0xA00, $0x38;
	[tilespmem:$0x9F80] =	vst v63  }
0x21: {  	s5 =	simm.s32 $0x6D80  }
0x22: {  	[tilespmem:s5], [sflag:$0x2] =	stream.linear.gather [hbm4b:s8+s4], $0xA00, $0x38;
	[tilespmem:$0x9F80] =	vst v63  }
0x23: {  	_ =	swait.ge [sflag:s29], $0xA00  }
0x24: {  	[sflag:s29] =	ssyncset.done $0x0  }
0x25: {  	[sflag:s29] =	ssyncadd.s32 $0xFFFFF600  }
0x26: {  	_ =	swait.ge [sflag:s29], $0xA00  }
0x27: {  	[sflag:s29] =	ssyncset.done $0x0  }
0x28: {  	s6 =	simm.s32 $0x4FC0;
	[sflag:s29] =	ssyncadd.s32 $0xFFFFF600  }
0x29: {  	s26 =	simm.s32 $0x63C0;
	v0 =	vld [tilespmem:s6+$0x30]  }
0x2a: {  	v1 =	vld [tilespmem:s26+$0xFFFFFFE0]  }
0x2b: {  	v2 =	vld [tilespmem:s6+$0xFFFFFFF0]  }
0x2c: {  	v3 =	vld [tilespmem:s26+$0xFFFFFFF0]  }
0x2d: {  	v4 =	vld [tilespmem:s6+$0x0]  }
0x2e: {  	v5 =	vld [tilespmem:s26+$0x0]  }
0x2f: {  	v6 =	vld [tilespmem:s6+$0xFFFFFFD0]  }
0x30: {  	v7 =	vld [tilespmem:s26+$0xFFFFFFC0]  }
0x31: {  	v8 =	vld [tilespmem:s6+$0x10]  }
0x32: {  	v11 =	vld [tilespmem:s26+$0x20];
	vm0 =	vgt.s32 v0, $0x0  }
0x33: {  	v10 =	vld [tilespmem:s6+$0x20];
	v0 =	vnsel vm0, $0x0, v0  }
0x34: {  	v12 =	vld [tilespmem:s6+$0xFFFFFFE0];
	vm14 =	vgt.s32 v6, $0x0;
	v0 =	vmin.u32 v0, $0x270F  }
0x35: {  	v9 =	vld [tilespmem:s6+$0xFFFFFFC0];
	vm1 =	vgt.s32 v7, $0x0;
	v6 =	vnsel vm14, $0x0, v6  }
0x36: {  	v13 =	vld [tilespmem:s26+$0xFFFFFFD0];
	vm15 =	vgt.s32 v1, $0x0;
	v7 =	vnsel vm1, $0x0, v7;
	v6 =	vmin.u32 v6, $0x270F  }
0x37: {  	v14 =	vld [tilespmem:s26+$0x30];
	vm4 =	vgt.s32 v4, $0x0;
	vm5 =	vgt.s32 v11, $0x0;
	v15 =	vmin.u32 v7, $0x270F  }
0x38: {  	v16 =	vld [tilespmem:s26+$0x10];
	vm6 =	vgt.s32 v3, $0x0;
	vm11 =	vgt.s32 v8, $0x0;
	v1 =	vnsel vm15, $0x0, v1  }
0x39: {  	vm12 =	vgt.s32 v12, $0x0;
	v4 =	vnsel vm4, $0x0, v4;
	v18 =	vmin.u32 v1, $0x270F;
	v29 =	vld.idx.msk [tilespmem:v0+s4+$0x0], $0xffff  }
0x3a: {  	v3 =	vnsel vm6, $0x0, v3;
	v1 =	vnsel vm5, $0x0, v11;
	v19 =	vmin.u32 v4, $0x270F;
	v11 =	vld.idx.msk [tilespmem:v0+s23+$0x0], $0xffff  }
0x3b: {  	v8 =	vnsel vm11, $0x0, v8;
	v7 =	vmin.u32 v3, $0x270F;
	v20 =	vmin.u32 v1, $0x270F;
	v1 =	vld.idx.msk [tilespmem:v6+s4+$0x0], $0xffff  }
0x3c: {  	vm8 =	vgt.s32 v9, $0x0;
	v12 =	vnsel vm12, $0x0, v12;
	v30 =	vmin.u32 v8, $0x270F;
	v0 =	vld.idx.msk [tilespmem:v15+s4+$0x0], $0xffff  }
0x3d: {  	vm7 =	vgt.s32 v5, $0x0;
	v3 =	vnsel vm8, $0x0, v9;
	v23 =	vmin.u32 v12, $0x270F;
	v9 =	vld.idx.msk [tilespmem:v6+s23+$0x0], $0xffff  }
0x3e: {  	vm9 =	vgt.s32 v10, $0x0;
	vm10 =	vgt.s32 v2, $0x0;
	vm13 =	vgt.s32 v14, $0x0;
	v17 =	vld.idx.msk [tilespmem:v18+s4+$0x0], $0xffff  }
0x3f: {  	vm14 =	vgt.s32 v16, $0x0;
	v6 =	vmin.u32 v3, $0x270F;
	v3 =	vnsel vm10, $0x0, v2;
	v2 =	vld.idx.msk [tilespmem:v19+s4+$0x0], $0xffff  }
0x40: {  	v4 =	vnsel vm7, $0x0, v5;
	v5 =	vnsel vm9, $0x0, v10;
	v8 =	vnsel vm13, $0x0, v14;
	v25 =	vld.idx.msk [tilespmem:v7+s23+$0x0], $0xffff  }
0x41: {  	v32 =	vmin.u32 v8, $0x270F;
	v8 =	vnsel vm14, $0x0, v16;
	v16 =	vld.idx.msk [tilespmem:v30+s23+$0x0], $0xffff;
	v10 =	vmin.u32 v3, $0x270F  }
0x42: {  	v28 =	vld.idx.msk [tilespmem:v23+s4+$0x0], $0xffff  }
0x43: {  	v14 =	vld.idx.msk [tilespmem:v18+s23+$0x0], $0xffff  }
0x44: {  	v18 =	vld.idx.msk [tilespmem:v15+s23+$0x0], $0xffff  }
0x45: {  	v22 =	vld.idx.msk [tilespmem:v19+s23+$0x0], $0xffff  }
0x46: {  	v24 =	vld.idx.msk [tilespmem:v10+s23+$0x0], $0xffff  }
0x47: {  	v5 =	vmin.u32 v5, $0x270F;
	v23 =	vld.idx.msk [tilespmem:v23+s23+$0x0], $0xffff  }
0x48: {  	v4 =	vmin.u32 v4, $0x270F;
	v30 =	vld.idx.msk [tilespmem:v30+s4+$0x0], $0xffff  }
0x49: {  	vm15 =	vgt.s32 v13, $0x0;
	v3 =	vld.idx.msk [tilespmem:v20+s4+$0x0], $0xffff  }
0x4a: {  	v21 =	vmin.u32 v8, $0x270F;
	v8 =	vnsel vm15, $0x0, v13;
	v13 =	vld.idx.msk [tilespmem:v32+s4+$0x0], $0xffff  }
0x4b: {  	v31 =	vld.idx.msk [tilespmem:v6+s23+$0x0], $0xffff;
	v15 =	vadd.f32 v25, v24  }
0x4c: {  	v8 =	vmin.u32 v8, $0x270F;
	v26 =	vld.idx.msk [tilespmem:v5+s23+$0x0], $0xffff  }
0x4d: {  	v12 =	vld.idx.msk [tilespmem:v4+s23+$0x0], $0xffff;
	v15 =	vadd.f32 $9.999999930e-09, v15  }
0x4e: {  	v20 =	vld.idx.msk [tilespmem:v20+s23+$0x0], $0xffff;
	v19 =	vadd.f32 v24, v24  }
0x4f: {  	v27 =	vld.idx.msk [tilespmem:v21+s4+$0x0], $0xffff;
	(erf) = vrcp.f32 v15  }
0x50: {  	s28 =	simm.s32 $0x8BC0;
	s31 =	simm.s32 $0x0;
	s30 =	simm.s32 $0x77C0;
	v13 =	vsub.f32 v29, v13;
	v29 =	vld.idx.msk [tilespmem:v32+s23+$0x0], $0xffff;
	v25 =	vmul.f32 v25, v19;
	v19 =	vadd.f32 v31, v31  }
0x51: {  	s2 =	simm.s32 $0x8C40;
	s5 =	simm.s32 $0x77C0;
	s6 =	simm.s32 $0x5040;
	v24 =	vld.idx.msk [tilespmem:v8+s23+$0x0], $0xffff;
	v31 =	vadd.f32 v18, v31;
	v15 =	vadd.f32 v26, v26  }
.LBB2_2:
0x52: {  	s31 =	sadd.s32 $0x80, s31;
	v32 =	vld.idx.msk [tilespmem:v21+s23+$0x0], $0xffff;
	s26 =	sadd.s32 $0x80, s26;
	s5 =	sadd.s32 $0x80, s5  }
0x53: {  	v34 =	vadd.f32 v9, v9;
	v35 =	vadd.f32 v22, v22;
	v33 =	vld [tilespmem:s6+$0x30];
	p0 =	slt.u32 s31, $0x980;
	v15 =	vmul.f32 v20, v15  }
0x54: {  	v21 =	vmul.f32 v18, v19;
	v31 =	vadd.f32 $9.999999930e-09, v31;
	v17 =	vsub.f32 v28, v17;
	v36 =	vld [tilespmem:s26+$0xFFFFFFE0]  }
0x55: {  	v37 =	vadd.f32 v23, v23;
	v18 =	vmul.f32 v12, v35;
	v35 =	vadd.f32 v11, v11;
	v28 =	vld [tilespmem:s6+$0xFFFFFFF0]  }
0x56: {  	v26 =	vadd.f32 v20, v26;
	v19 =	vmul.f32 v24, v34;
	v39 =	vsub.f32 v30, v27;
	v38 =	vld [tilespmem:s26+$0xFFFFFFF0];
	[tilespmem:s30+$0xFFFFFFE0] =	vst v17  }
0x57: {  	v30 =	vadd.f32 v16, v16;
	v34 =	vmul.f32 v29, v35;
	v11 =	vadd.f32 v29, v11;
	v27 =	vld [tilespmem:s6+$0x0]  }
0x58: {  	v20 =	vmul.f32 v14, v37;
	v16 =	vadd.f32 v32, v16;
	v29 =	vld [tilespmem:s26+$0x0];
	vm0 =	vgt.s32 v33, $0x0;
	[tilespmem:s30+$0x10] =	vst v39;
	v17 =	vpop (erf)  }
0x59: {  	v12 =	vadd.f32 v12, v22;
	v11 =	vadd.f32 $9.999999930e-09, v11;
	v35 =	vld [tilespmem:s6+$0x10];
	v33 =	vnsel vm0, $0x0, v33  }
0x5a: {  	v23 =	vadd.f32 v14, v23;
	v14 =	vmul.f32 v32, v30;
	v22 =	vld [tilespmem:s6+$0x20];
	v33 =	vmin.u32 v33, $0x270F  }
0x5b: {  	v9 =	vadd.f32 v24, v9;
	v16 =	vadd.f32 $9.999999930e-09, v16;
	v30 =	vld [tilespmem:s26+$0xFFFFFFC0];
	(erf) = vrcp.f32 v11  }
0x5c: {  	v12 =	vadd.f32 $9.999999930e-09, v12;
	v17 =	vmul.f32 v17, v25;
	v11 =	vadd.f32 $9.999999930e-09, v23;
	v24 =	vld [tilespmem:s6+$0xFFFFFFC0]  }
0x5d: {  	v9 =	vadd.f32 $9.999999930e-09, v9;
	v23 =	vld [tilespmem:s6+$0xFFFFFFE0];
	vm0 =	vgt.s32 v29, $0x0;
	(erf) = vrcp.f32 v31  }
0x5e: {  	vm1 =	vgt.s32 v27, $0x0;
	v25 =	vld [tilespmem:s26+$0xFFFFFFD0];
	v29 =	vnsel vm0, $0x0, v29;
	(erf) = vrcp.f32 v11  }
0x5f: {  	v27 =	vnsel vm1, $0x0, v27;
	vm0 =	vgt.s32 v38, $0x0;
	vm1 =	vgt.s32 v35, $0x0;
	v11 =	vld [tilespmem:s6+$0xFFFFFFD0]  }
0x60: {  	vm2 =	vgt.s32 v28, $0x0;
	v31 =	vnsel vm0, $0x0, v38;
	v32 =	vld [tilespmem:s26+$0x30];
	(erf) = vrcp.f32 v9  }
0x61: {  	v28 =	vnsel vm2, $0x0, v28;
	vm0 =	vgt.s32 v36, $0x0;
	v9 =	vld.idx.msk [tilespmem:v10+s4+$0x0], $0xffff;
	v10 =	vadd.f32 $9.999999930e-09, v26  }
0x62: {  	v26 =	vnsel vm0, $0x0, v36;
	vm0 =	vgt.s32 v22, $0x0;
	vm2 =	vgt.s32 v23, $0x0;
	v36 =	vld [tilespmem:s26+$0x20]  }
0x63: {  	vm3 =	vgt.s32 v25, $0x0;
	v23 =	vnsel vm2, $0x0, v23;
	v7 =	vld.idx.msk [tilespmem:v7+s4+$0x0], $0xffff;
	(erf) = vrcp.f32 v10  }
0x64: {  	vm2 =	vgt.s32 v11, $0x0;
	v10 =	vnsel vm3, $0x0, v25;
	v8 =	vld.idx.msk [tilespmem:v8+s4+$0x0], $0xffff;
	(erf) = vrcp.f32 v12;
	v12 =	vpop (erf)  }
0x65: {  	vm3 =	vgt.s32 v30, $0x0;
	v25 =	vnsel vm1, $0x0, v35;
	v11 =	vnsel vm2, $0x0, v11;
	v6 =	vld.idx.msk [tilespmem:v6+s4+$0x0], $0xffff  }
0x66: {  	v30 =	vnsel vm3, $0x0, v30;
	v35 =	vmin.u32 v11, $0x270F;
	v37 =	vld [tilespmem:s26+$0x10];
	v38 =	vpop (erf);
	(erf) = vrcp.f32 v16  }
0x67: {  	vm1 =	vgt.s32 v32, $0x0;
	v30 =	vmin.u32 v30, $0x270F;
	v16 =	vld.idx.msk [tilespmem:v5+s4+$0x0], $0xffff;
	v5 =	vmul.f32 v12, v34;
	v12 =	vpop (erf)  }
0x68: {  	vm2 =	vgt.s32 v24, $0x0;
	v32 =	vnsel vm1, $0x0, v32;
	vm3 =	vgt.s32 v36, $0x0;
	v34 =	vld.idx.msk [tilespmem:v33+s4+$0x0], $0xffff;
	[tilespmem:s30+$0x30] =	vst v13  }
0x69: {  	v13 =	vmin.u32 v26, $0x270F;
	v11 =	vnsel vm3, $0x0, v36;
	v7 =	vsub.f32 v9, v7;
	v26 =	vld.idx.msk [tilespmem:v4+s4+$0x0], $0xffff;
	[tilespmem:s28+$0x30] =	vst v5;
	v36 =	vpop (erf)  }
0x6a: {  	v39 =	vmin.u32 v27, $0x270F;
	v40 =	vmin.u32 v11, $0x270F;
	v11 =	vld.idx.msk [tilespmem:v33+s23+$0x0], $0xffff;
	v33 =	vsub.f32 v1, v8  }
0x6b: {  	v24 =	vnsel vm2, $0x0, v24;
	v4 =	vmin.u32 v29, $0x270F;
	v5 =	vnsel vm0, $0x0, v22;
	v1 =	vld.idx.msk [tilespmem:v35+s4+$0x0], $0xffff;
	[tilespmem:s30+$0xFFFFFFF0] =	vst v7  }
0x6c: {  	v8 =	vmin.u32 v10, $0x270F;
	v10 =	vsub.f32 v6, v0;
	v7 =	vmin.u32 v31, $0x270F;
	v0 =	vld.idx.msk [tilespmem:v30+s4+$0x0], $0xffff;
	[tilespmem:s28+$0xFFFFFFF0] =	vst v17;
	v22 =	vpop (erf)  }
0x6d: {  	v29 =	vmul.f32 v38, v21;
	v5 =	vmin.u32 v5, $0x270F;
	vm0 =	vgt.s32 v37, $0x0;
	v9 =	vld.idx.msk [tilespmem:v35+s23+$0x0], $0xffff;
	[tilespmem:s30+$0xFFFFFFD0] =	vst v33;
	v27 =	vpop (erf)  }
0x6e: {  	v23 =	vmin.u32 v23, $0x270F;
	v6 =	vmin.u32 v24, $0x270F;
	v21 =	vnsel vm0, $0x0, v37;
	v17 =	vld.idx.msk [tilespmem:v13+s4+$0x0], $0xffff;
	[tilespmem:s30+$0xFFFFFFC0] =	vst v10  }
0x6f: {  	v19 =	vmul.f32 v36, v19;
	v21 =	vmin.u32 v21, $0x270F;
	v10 =	vmin.u32 v28, $0x270F;
	v24 =	vld.idx.msk [tilespmem:v39+s4+$0x0], $0xffff;
	[tilespmem:s28+$0xFFFFFFC0] =	vst v29;
	v28 =	vpop (erf)  }
0x70: {  	v16 =	vsub.f32 v16, v3;
	v15 =	vmul.f32 v22, v15;
	v18 =	vmul.f32 v27, v18;
	v3 =	vld.idx.msk [tilespmem:v40+s4+$0x0], $0xffff  }
0x71: {  	v32 =	vmin.u32 v32, $0x270F;
	v29 =	vmin.u32 v25, $0x270F;
	v22 =	vld.idx.msk [tilespmem:v7+s23+$0x0], $0xffff;
	[tilespmem:s28+$0xFFFFFFD0] =	vst v19;
	v19 =	vmul.f32 v12, v20  }
0x72: {  	v14 =	vmul.f32 v28, v14;
	v20 =	vsub.f32 v2, v26;
	v12 =	vld.idx.msk [tilespmem:v4+s23+$0x0], $0xffff;
	[tilespmem:s30+$0x20] =	vst v16  }
0x73: {  	v31 =	vld.idx.msk [tilespmem:v6+s23+$0x0], $0xffff;
	[tilespmem:s28+$0x20] =	vst v15  }
0x74: {  	v26 =	vld.idx.msk [tilespmem:v5+s23+$0x0], $0xffff;
	[tilespmem:s30+$0x0] =	vst v20;
	s30 =	smov.u32 s5  }
0x75: {  	v2 =	vmov v24;
	v15 =	vld.idx.msk [tilespmem:v10+s23+$0x0], $0xffff;
	[tilespmem:s28+$0x10] =	vst v14  }
0x76: {  	v16 =	vld.idx.msk [tilespmem:v29+s23+$0x0], $0xffff;
	[tilespmem:s28+$0x0] =	vst v18  }
0x77: {  	v28 =	vld.idx.msk [tilespmem:v23+s4+$0x0], $0xffff;
	[tilespmem:s28+$0xFFFFFFE0] =	vst v19;
	s28 =	smov.u32 s2  }
0x78: {  	v33 =	vld.idx.msk [tilespmem:v32+s4+$0x0], $0xffff  }
0x79: {  	v19 =	vadd.f32 v31, v31;
	v14 =	vld.idx.msk [tilespmem:v13+s23+$0x0], $0xffff  }
0x7a: {  	v18 =	vld.idx.msk [tilespmem:v30+s23+$0x0], $0xffff  }
0x7b: {  	v13 =	vadd.f32 v15, v15;
	v15 =	vadd.f32 v22, v15;
	v27 =	vld.idx.msk [tilespmem:v21+s4+$0x0], $0xffff  }
0x7c: {  	v20 =	vld.idx.msk [tilespmem:v40+s23+$0x0], $0xffff  }
.Ltmp0:
0x7d: {  	v25 =	vmul.f32 v22, v13;
	v15 =	vadd.f32 $9.999999930e-09, v15;
	v22 =	vld.idx.msk [tilespmem:v39+s23+$0x0], $0xffff;
	(pc) =	sbr.rel @p0 .LBB2_2-.Ltmp0, $4  }
0x7e: {  	v13 =	vsub.f32 v34, v33;
	v24 =	vld.idx.msk [tilespmem:v8+s23+$0x0], $0xffff  }
0x7f: {  	v23 =	vld.idx.msk [tilespmem:v23+s23+$0x0], $0xffff;
	(erf) = vrcp.f32 v15  }
0x80: {  	v31 =	vadd.f32 v18, v31;
	v30 =	vld.idx.msk [tilespmem:v29+s4+$0x0], $0xffff  }
0x81: {  	s6 =	sadd.s32 $0x80, s6;
	s2 =	sadd.s32 $0x80, s2;
	v15 =	vadd.f32 v26, v26;
	v29 =	vld.idx.msk [tilespmem:v32+s23+$0x0], $0xffff  }
0x82: {  	_ =	sdelay $0x3  }
0x83: {  	v32 =	vadd.f32 v29, v11;
	_ =	sdelay $0x1  }
0x84: {  	v60 =	vadd.f32 v14, v23;
	v32 =	vadd.f32 $9.999999930e-09, v32  }
0x85: {  	v31 =	vadd.f32 $9.999999930e-09, v31;
	v33 =	vadd.f32 v24, v9  }
0x86: {  	v21 =	vld.idx.msk [tilespmem:v21+s23+$0x0], $0xffff;
	v17 =	vsub.f32 v28, v17;
	v28 =	vadd.f32 $9.999999930e-09, v60;
	(erf) = vrcp.f32 v32  }
0x87: {  	v26 =	vadd.f32 v20, v26;
	v10 =	vld.idx.msk [tilespmem:v10+s4+$0x0], $0xffff;
	v61 =	vadd.f32 $9.999999930e-09, v33;
	(erf) = vrcp.f32 v31  }
0x88: {  	v7 =	vld.idx.msk [tilespmem:v7+s4+$0x0], $0xffff;
	(erf) = vrcp.f32 v28  }
0x89: {  	v8 =	vld.idx.msk [tilespmem:v8+s4+$0x0], $0xffff;
	v26 =	vadd.f32 $9.999999930e-09, v26;
	v11 =	vadd.f32 v11, v11;
	(erf) = vrcp.f32 v61  }
0x8a: {  	v6 =	vld.idx.msk [tilespmem:v6+s4+$0x0], $0xffff;
	v31 =	vadd.f32 v12, v22  }
0x8b: {  	v11 =	vmul.f32 v29, v11;
	v29 =	vpop (erf);
	v28 =	vadd.f32 v21, v16;
	(erf) = vrcp.f32 v26  }
0x8c: {  	[tilespmem:s30+$0x30] =	vst v13;
	v27 =	vsub.f32 v30, v27;
	v30 =	vadd.f32 $9.999999930e-09, v31  }
0x8d: {  	v5 =	vld.idx.msk [tilespmem:v5+s4+$0x0], $0xffff;
	[tilespmem:s30+$0xFFFFFFE0] =	vst v17;
	v7 =	vsub.f32 v10, v7;
	v28 =	vadd.f32 $9.999999930e-09, v28  }
0x8e: {  	v9 =	vadd.f32 v9, v9;
	[tilespmem:s30+$0x10] =	vst v27;
	v1 =	vsub.f32 v1, v8;
	(erf) = vrcp.f32 v30  }
0x8f: {  	v0 =	vsub.f32 v6, v0;
	[tilespmem:s30+$0xFFFFFFF0] =	vst v7;
	v17 =	vpop (erf);
	(erf) = vrcp.f32 v28  }
0x90: {  	v7 =	vmul.f32 v24, v9;
	[tilespmem:s30+$0xFFFFFFD0] =	vst v1;
	v11 =	vmul.f32 v17, v11;
	v13 =	vpop (erf)  }
0x91: {  	v4 =	vld.idx.msk [tilespmem:v4+s4+$0x0], $0xffff;
	v10 =	vmul.f32 v29, v25;
	[tilespmem:s30+$0xFFFFFFC0] =	vst v0;
	v8 =	vpop (erf)  }
0x92: {  	v3 =	vsub.f32 v5, v3;
	v5 =	vadd.f32 v23, v23;
	[tilespmem:s28+$0x30] =	vst v11;
	v11 =	vmul.f32 v18, v19;
	v6 =	vpop (erf)  }
0x93: {  	v1 =	vmul.f32 v20, v15;
	[tilespmem:s28+$0xFFFFFFF0] =	vst v10;
	v10 =	vadd.f32 v16, v16;
	v0 =	vmul.f32 v6, v7  }
0x94: {  	[tilespmem:s30+$0x20] =	vst v3;
	v6 =	vadd.f32 v22, v22;
	v7 =	vpop (erf);
	v9 =	vmul.f32 v13, v11  }
0x95: {  	v3 =	vmul.f32 v14, v5;
	v1 =	vmul.f32 v7, v1;
	[tilespmem:s28+$0xFFFFFFD0] =	vst v0  }
0x96: {  	v2 =	vsub.f32 v2, v4;
	v0 =	vmul.f32 v12, v6;
	[tilespmem:s28+$0xFFFFFFC0] =	vst v9  }
0x97: {  	v9 =	vmul.f32 v21, v10;
	v10 =	vpop (erf);
	[tilespmem:s28+$0x20] =	vst v1;
	v1 =	vmul.f32 v8, v3  }
0x98: {  	[tilespmem:s30+$0x0] =	vst v2;
	v0 =	vmul.f32 v10, v0;
	v6 =	vpop (erf)  }
0x99: {  	[tilespmem:s28+$0xFFFFFFE0] =	vst v1;
	v4 =	vmul.f32 v6, v9  }
0x9a: {  	[tilespmem:s28+$0x0] =	vst v0  }
0x9b: {  	s2 =	simm.s32 $0x7780;
	[tilespmem:s28+$0x10] =	vst v4  }
0x9c: {  	[hbm4b:s9+s4] =	stream.linear.scatter [tilespmem:s2], [sflag:$0x3], $0xA00, $0x38;
	[tilespmem:$0x9F80] =	vst v63  }
0x9d: {  	s6 =	simm.s32 $0x8B80  }
0x9e: {  	[hbm4b:s10+s4] =	stream.linear.scatter [tilespmem:s6], [sflag:$0x3], $0xA00, $0x38;
	[tilespmem:$0x9F80] =	vst v63  }
0x9f: {  	s26 =	simm.s32 $0x4F80  }
0xa0: {  	[tilespmem:s26], [sflag:$0x1] =	stream.linear.gather [hbm4b:s11+s4], $0xA00, $0x38;
	[tilespmem:$0x9F80] =	vst v63  }
0xa1: {  	s5 =	simm.s32 $0x6380  }
0xa2: {  	[tilespmem:s5], [sflag:$0x1] =	stream.linear.gather [hbm4b:s12+s4], $0xA00, $0x38;
	[tilespmem:$0x9F80] =	vst v63  }
0xa3: {  	_ =	swait.ge [sflag:s0], $0xA00  }
0xa4: {  	[sflag:s0] =	ssyncset.done $0x0  }
0xa5: {  	[sflag:s0] =	ssyncadd.s32 $0xFFFFF600  }
0xa6: {  	_ =	swait.ge [sflag:s0], $0xA00  }
0xa7: {  	[sflag:s0] =	ssyncset.done $0x0  }
0xa8: {  	s6 =	simm.s32 $0x59C0;
	[sflag:s0] =	ssyncadd.s32 $0xFFFFF600  }
0xa9: {  	s26 =	simm.s32 $0x6DC0;
	v0 =	vld [tilespmem:s6+$0x30]  }
0xaa: {  	v1 =	vld [tilespmem:s26+$0xFFFFFFE0]  }
0xab: {  	v2 =	vld [tilespmem:s6+$0xFFFFFFF0]  }
0xac: {  	v3 =	vld [tilespmem:s26+$0xFFFFFFF0]  }
0xad: {  	v4 =	vld [tilespmem:s6+$0x0]  }
0xae: {  	v5 =	vld [tilespmem:s26+$0x0]  }
0xaf: {  	v6 =	vld [tilespmem:s6+$0xFFFFFFD0]  }
0xb0: {  	v7 =	vld [tilespmem:s26+$0xFFFFFFC0]  }
0xb1: {  	v8 =	vld [tilespmem:s6+$0x10]  }
0xb2: {  	v11 =	vld [tilespmem:s26+$0x20];
	vm0 =	vgt.s32 v0, $0x0  }
0xb3: {  	v10 =	vld [tilespmem:s6+$0x20];
	v0 =	vnsel vm0, $0x0, v0  }
0xb4: {  	v12 =	vld [tilespmem:s6+$0xFFFFFFE0];
	vm14 =	vgt.s32 v6, $0x0;
	v0 =	vmin.u32 v0, $0x270F  }
0xb5: {  	v9 =	vld [tilespmem:s6+$0xFFFFFFC0];
	vm1 =	vgt.s32 v7, $0x0;
	v6 =	vnsel vm14, $0x0, v6  }
0xb6: {  	v13 =	vld [tilespmem:s26+$0xFFFFFFD0];
	vm15 =	vgt.s32 v1, $0x0;
	v7 =	vnsel vm1, $0x0, v7;
	v6 =	vmin.u32 v6, $0x270F  }
0xb7: {  	v14 =	vld [tilespmem:s26+$0x30];
	vm4 =	vgt.s32 v4, $0x0;
	vm5 =	vgt.s32 v11, $0x0;
	v15 =	vmin.u32 v7, $0x270F  }
0xb8: {  	v16 =	vld [tilespmem:s26+$0x10];
	vm6 =	vgt.s32 v3, $0x0;
	vm11 =	vgt.s32 v8, $0x0;
	v1 =	vnsel vm15, $0x0, v1  }
0xb9: {  	vm12 =	vgt.s32 v12, $0x0;
	v4 =	vnsel vm4, $0x0, v4;
	v18 =	vmin.u32 v1, $0x270F;
	v29 =	vld.idx.msk [tilespmem:v0+s4+$0x0], $0xffff  }
0xba: {  	v3 =	vnsel vm6, $0x0, v3;
	v1 =	vnsel vm5, $0x0, v11;
	v19 =	vmin.u32 v4, $0x270F;
	v11 =	vld.idx.msk [tilespmem:v0+s23+$0x0], $0xffff  }
0xbb: {  	v8 =	vnsel vm11, $0x0, v8;
	v7 =	vmin.u32 v3, $0x270F;
	v20 =	vmin.u32 v1, $0x270F;
	v1 =	vld.idx.msk [tilespmem:v6+s4+$0x0], $0xffff  }
0xbc: {  	vm8 =	vgt.s32 v9, $0x0;
	v12 =	vnsel vm12, $0x0, v12;
	v30 =	vmin.u32 v8, $0x270F;
	v0 =	vld.idx.msk [tilespmem:v15+s4+$0x0], $0xffff  }
0xbd: {  	vm7 =	vgt.s32 v5, $0x0;
	v3 =	vnsel vm8, $0x0, v9;
	v23 =	vmin.u32 v12, $0x270F;
	v9 =	vld.idx.msk [tilespmem:v6+s23+$0x0], $0xffff  }
0xbe: {  	vm9 =	vgt.s32 v10, $0x0;
	vm10 =	vgt.s32 v2, $0x0;
	vm13 =	vgt.s32 v14, $0x0;
	v17 =	vld.idx.msk [tilespmem:v18+s4+$0x0], $0xffff  }
0xbf: {  	vm14 =	vgt.s32 v16, $0x0;
	v6 =	vmin.u32 v3, $0x270F;
	v3 =	vnsel vm10, $0x0, v2;
	v2 =	vld.idx.msk [tilespmem:v19+s4+$0x0], $0xffff  }
0xc0: {  	v4 =	vnsel vm7, $0x0, v5;
	v5 =	vnsel vm9, $0x0, v10;
	v8 =	vnsel vm13, $0x0, v14;
	v25 =	vld.idx.msk [tilespmem:v7+s23+$0x0], $0xffff  }
0xc1: {  	v62 =	vmin.u32 v8, $0x270F;
	v8 =	vnsel vm14, $0x0, v16;
	v16 =	vld.idx.msk [tilespmem:v30+s23+$0x0], $0xffff;
	v10 =	vmin.u32 v3, $0x270F  }
0xc2: {  	v28 =	vld.idx.msk [tilespmem:v23+s4+$0x0], $0xffff  }
0xc3: {  	v14 =	vld.idx.msk [tilespmem:v18+s23+$0x0], $0xffff  }
0xc4: {  	v18 =	vld.idx.msk [tilespmem:v15+s23+$0x0], $0xffff  }
0xc5: {  	v22 =	vld.idx.msk [tilespmem:v19+s23+$0x0], $0xffff  }
0xc6: {  	v24 =	vld.idx.msk [tilespmem:v10+s23+$0x0], $0xffff  }
0xc7: {  	v5 =	vmin.u32 v5, $0x270F;
	v23 =	vld.idx.msk [tilespmem:v23+s23+$0x0], $0xffff  }
0xc8: {  	v4 =	vmin.u32 v4, $0x270F;
	v30 =	vld.idx.msk [tilespmem:v30+s4+$0x0], $0xffff  }
0xc9: {  	vm15 =	vgt.s32 v13, $0x0;
	v3 =	vld.idx.msk [tilespmem:v20+s4+$0x0], $0xffff  }
0xca: {  	v21 =	vmin.u32 v8, $0x270F;
	v8 =	vnsel vm15, $0x0, v13;
	v13 =	vld.idx.msk [tilespmem:v62+s4+$0x0], $0xffff  }
0xcb: {  	v31 =	vld.idx.msk [tilespmem:v6+s23+$0x0], $0xffff;
	v15 =	vadd.f32 v25, v24  }
0xcc: {  	v8 =	vmin.u32 v8, $0x270F;
	v26 =	vld.idx.msk [tilespmem:v5+s23+$0x0], $0xffff  }
0xcd: {  	v12 =	vld.idx.msk [tilespmem:v4+s23+$0x0], $0xffff;
	v15 =	vadd.f32 $9.999999930e-09, v15  }
0xce: {  	v20 =	vld.idx.msk [tilespmem:v20+s23+$0x0], $0xffff  }
0xcf: {  	v27 =	vld.idx.msk [tilespmem:v21+s4+$0x0], $0xffff;
	v63 =	vadd.f32 v24, v24;
	(erf) = vrcp.f32 v15  }
0xd0: {  	s31 =	simm.s32 $0x0;
	s30 =	simm.s32 $0x81C0;
	s28 =	simm.s32 $0x95C0;
	v13 =	vsub.f32 v29, v13;
	v29 =	vld.idx.msk [tilespmem:v62+s23+$0x0], $0xffff;
	v19 =	vadd.f32 v31, v31  }
0xd1: {  	s2 =	simm.s32 $0x9640;
	s5 =	simm.s32 $0x81C0;
	s6 =	simm.s32 $0x5A40;
	v31 =	vadd.f32 v18, v31;
	v24 =	vld.idx.msk [tilespmem:v8+s23+$0x0], $0xffff;
	v25 =	vmul.f32 v25, v63;
	v15 =	vadd.f32 v26, v26  }
.LBB2_4:
0xd2: {  	s31 =	sadd.s32 $0x80, s31;
	v32 =	vld.idx.msk [tilespmem:v21+s23+$0x0], $0xffff;
	s26 =	sadd.s32 $0x80, s26;
	s5 =	sadd.s32 $0x80, s5  }
0xd3: {  	v34 =	vadd.f32 v9, v9;
	v35 =	vadd.f32 v22, v22;
	v33 =	vld [tilespmem:s6+$0x30];
	p0 =	slt.u32 s31, $0x980;
	v15 =	vmul.f32 v20, v15  }
0xd4: {  	v21 =	vmul.f32 v18, v19;
	v31 =	vadd.f32 $9.999999930e-09, v31;
	v17 =	vsub.f32 v28, v17;
	v36 =	vld [tilespmem:s26+$0xFFFFFFE0]  }
0xd5: {  	v37 =	vadd.f32 v23, v23;
	v18 =	vmul.f32 v12, v35;
	v35 =	vadd.f32 v11, v11;
	v28 =	vld [tilespmem:s6+$0xFFFFFFF0]  }
0xd6: {  	v26 =	vadd.f32 v20, v26;
	v19 =	vmul.f32 v24, v34;
	v39 =	vsub.f32 v30, v27;
	v38 =	vld [tilespmem:s26+$0xFFFFFFF0];
	[tilespmem:s30+$0xFFFFFFE0] =	vst v17  }
0xd7: {  	v30 =	vadd.f32 v16, v16;
	v34 =	vmul.f32 v29, v35;
	v11 =	vadd.f32 v29, v11;
	v27 =	vld [tilespmem:s6+$0x0]  }
0xd8: {  	v20 =	vmul.f32 v14, v37;
	v16 =	vadd.f32 v32, v16;
	v29 =	vld [tilespmem:s26+$0x0];
	vm0 =	vgt.s32 v33, $0x0;
	[tilespmem:s30+$0x10] =	vst v39;
	v17 =	vpop (erf)  }
0xd9: {  	v12 =	vadd.f32 v12, v22;
	v11 =	vadd.f32 $9.999999930e-09, v11;
	v35 =	vld [tilespmem:s6+$0x10];
	v33 =	vnsel vm0, $0x0, v33  }
0xda: {  	v23 =	vadd.f32 v14, v23;
	v14 =	vmul.f32 v32, v30;
	v22 =	vld [tilespmem:s6+$0x20];
	v33 =	vmin.u32 v33, $0x270F  }
0xdb: {  	v9 =	vadd.f32 v24, v9;
	v16 =	vadd.f32 $9.999999930e-09, v16;
	v30 =	vld [tilespmem:s26+$0xFFFFFFC0];
	(erf) = vrcp.f32 v11  }
0xdc: {  	v12 =	vadd.f32 $9.999999930e-09, v12;
	v17 =	vmul.f32 v17, v25;
	v11 =	vadd.f32 $9.999999930e-09, v23;
	v24 =	vld [tilespmem:s6+$0xFFFFFFC0]  }
0xdd: {  	v9 =	vadd.f32 $9.999999930e-09, v9;
	v23 =	vld [tilespmem:s6+$0xFFFFFFE0];
	vm0 =	vgt.s32 v29, $0x0;
	(erf) = vrcp.f32 v31  }
0xde: {  	vm1 =	vgt.s32 v27, $0x0;
	v25 =	vld [tilespmem:s26+$0xFFFFFFD0];
	v29 =	vnsel vm0, $0x0, v29;
	(erf) = vrcp.f32 v11  }
0xdf: {  	v27 =	vnsel vm1, $0x0, v27;
	vm0 =	vgt.s32 v38, $0x0;
	vm1 =	vgt.s32 v35, $0x0;
	v11 =	vld [tilespmem:s6+$0xFFFFFFD0]  }
0xe0: {  	vm2 =	vgt.s32 v28, $0x0;
	v31 =	vnsel vm0, $0x0, v38;
	v32 =	vld [tilespmem:s26+$0x30];
	(erf) = vrcp.f32 v9  }
0xe1: {  	v28 =	vnsel vm2, $0x0, v28;
	vm0 =	vgt.s32 v36, $0x0;
	v9 =	vld.idx.msk [tilespmem:v10+s4+$0x0], $0xffff;
	v10 =	vadd.f32 $9.999999930e-09, v26  }
0xe2: {  	v26 =	vnsel vm0, $0x0, v36;
	vm0 =	vgt.s32 v22, $0x0;
	vm2 =	vgt.s32 v23, $0x0;
	v36 =	vld [tilespmem:s26+$0x20]  }
0xe3: {  	vm3 =	vgt.s32 v25, $0x0;
	v23 =	vnsel vm2, $0x0, v23;
	v7 =	vld.idx.msk [tilespmem:v7+s4+$0x0], $0xffff;
	(erf) = vrcp.f32 v10  }
0xe4: {  	vm2 =	vgt.s32 v11, $0x0;
	v10 =	vnsel vm3, $0x0, v25;
	v8 =	vld.idx.msk [tilespmem:v8+s4+$0x0], $0xffff;
	(erf) = vrcp.f32 v12;
	v12 =	vpop (erf)  }
0xe5: {  	vm3 =	vgt.s32 v30, $0x0;
	v25 =	vnsel vm1, $0x0, v35;
	v11 =	vnsel vm2, $0x0, v11;
	v6 =	vld.idx.msk [tilespmem:v6+s4+$0x0], $0xffff  }
0xe6: {  	v30 =	vnsel vm3, $0x0, v30;
	v35 =	vmin.u32 v11, $0x270F;
	v37 =	vld [tilespmem:s26+$0x10];
	v38 =	vpop (erf);
	(erf) = vrcp.f32 v16  }
0xe7: {  	vm1 =	vgt.s32 v32, $0x0;
	v30 =	vmin.u32 v30, $0x270F;
	v16 =	vld.idx.msk [tilespmem:v5+s4+$0x0], $0xffff;
	v5 =	vmul.f32 v12, v34;
	v12 =	vpop (erf)  }
0xe8: {  	vm2 =	vgt.s32 v24, $0x0;
	v32 =	vnsel vm1, $0x0, v32;
	vm3 =	vgt.s32 v36, $0x0;
	v34 =	vld.idx.msk [tilespmem:v33+s4+$0x0], $0xffff;
	[tilespmem:s30+$0x30] =	vst v13  }
0xe9: {  	v13 =	vmin.u32 v26, $0x270F;
	v11 =	vnsel vm3, $0x0, v36;
	v7 =	vsub.f32 v9, v7;
	v26 =	vld.idx.msk [tilespmem:v4+s4+$0x0], $0xffff;
	[tilespmem:s28+$0x30] =	vst v5;
	v36 =	vpop (erf)  }
0xea: {  	v39 =	vmin.u32 v27, $0x270F;
	v40 =	vmin.u32 v11, $0x270F;
	v11 =	vld.idx.msk [tilespmem:v33+s23+$0x0], $0xffff;
	v33 =	vsub.f32 v1, v8  }
0xeb: {  	v24 =	vnsel vm2, $0x0, v24;
	v4 =	vmin.u32 v29, $0x270F;
	v5 =	vnsel vm0, $0x0, v22;
	v1 =	vld.idx.msk [tilespmem:v35+s4+$0x0], $0xffff;
	[tilespmem:s30+$0xFFFFFFF0] =	vst v7  }
0xec: {  	v8 =	vmin.u32 v10, $0x270F;
	v10 =	vsub.f32 v6, v0;
	v7 =	vmin.u32 v31, $0x270F;
	v0 =	vld.idx.msk [tilespmem:v30+s4+$0x0], $0xffff;
	[tilespmem:s28+$0xFFFFFFF0] =	vst v17;
	v22 =	vpop (erf)  }
0xed: {  	v29 =	vmul.f32 v38, v21;
	v5 =	vmin.u32 v5, $0x270F;
	vm0 =	vgt.s32 v37, $0x0;
	v9 =	vld.idx.msk [tilespmem:v35+s23+$0x0], $0xffff;
	[tilespmem:s30+$0xFFFFFFD0] =	vst v33;
	v27 =	vpop (erf)  }
0xee: {  	v23 =	vmin.u32 v23, $0x270F;
	v6 =	vmin.u32 v24, $0x270F;
	v21 =	vnsel vm0, $0x0, v37;
	v17 =	vld.idx.msk [tilespmem:v13+s4+$0x0], $0xffff;
	[tilespmem:s30+$0xFFFFFFC0] =	vst v10  }
0xef: {  	v19 =	vmul.f32 v36, v19;
	v21 =	vmin.u32 v21, $0x270F;
	v10 =	vmin.u32 v28, $0x270F;
	v24 =	vld.idx.msk [tilespmem:v39+s4+$0x0], $0xffff;
	[tilespmem:s28+$0xFFFFFFC0] =	vst v29;
	v28 =	vpop (erf)  }
0xf0: {  	v16 =	vsub.f32 v16, v3;
	v15 =	vmul.f32 v22, v15;
	v18 =	vmul.f32 v27, v18;
	v3 =	vld.idx.msk [tilespmem:v40+s4+$0x0], $0xffff  }
0xf1: {  	v32 =	vmin.u32 v32, $0x270F;
	v29 =	vmin.u32 v25, $0x270F;
	v22 =	vld.idx.msk [tilespmem:v7+s23+$0x0], $0xffff;
	[tilespmem:s28+$0xFFFFFFD0] =	vst v19;
	v19 =	vmul.f32 v12, v20  }
0xf2: {  	v14 =	vmul.f32 v28, v14;
	v20 =	vsub.f32 v2, v26;
	v12 =	vld.idx.msk [tilespmem:v4+s23+$0x0], $0xffff;
	[tilespmem:s30+$0x20] =	vst v16  }
0xf3: {  	v31 =	vld.idx.msk [tilespmem:v6+s23+$0x0], $0xffff;
	[tilespmem:s28+$0x20] =	vst v15  }
0xf4: {  	v26 =	vld.idx.msk [tilespmem:v5+s23+$0x0], $0xffff;
	[tilespmem:s30+$0x0] =	vst v20;
	s30 =	smov.u32 s5  }
0xf5: {  	v2 =	vmov v24;
	v15 =	vld.idx.msk [tilespmem:v10+s23+$0x0], $0xffff;
	[tilespmem:s28+$0x10] =	vst v14  }
0xf6: {  	v16 =	vld.idx.msk [tilespmem:v29+s23+$0x0], $0xffff;
	[tilespmem:s28+$0x0] =	vst v18  }
0xf7: {  	v28 =	vld.idx.msk [tilespmem:v23+s4+$0x0], $0xffff;
	[tilespmem:s28+$0xFFFFFFE0] =	vst v19;
	s28 =	smov.u32 s2  }
0xf8: {  	v33 =	vld.idx.msk [tilespmem:v32+s4+$0x0], $0xffff  }
0xf9: {  	v19 =	vadd.f32 v31, v31;
	v14 =	vld.idx.msk [tilespmem:v13+s23+$0x0], $0xffff  }
0xfa: {  	v18 =	vld.idx.msk [tilespmem:v30+s23+$0x0], $0xffff  }
0xfb: {  	v13 =	vadd.f32 v15, v15;
	v15 =	vadd.f32 v22, v15;
	v27 =	vld.idx.msk [tilespmem:v21+s4+$0x0], $0xffff  }
0xfc: {  	v20 =	vld.idx.msk [tilespmem:v40+s23+$0x0], $0xffff  }
.Ltmp1:
0xfd: {  	v25 =	vmul.f32 v22, v13;
	v15 =	vadd.f32 $9.999999930e-09, v15;
	v22 =	vld.idx.msk [tilespmem:v39+s23+$0x0], $0xffff;
	(pc) =	sbr.rel @p0 .LBB2_4-.Ltmp1, $4  }
0xfe: {  	v13 =	vsub.f32 v34, v33;
	v24 =	vld.idx.msk [tilespmem:v8+s23+$0x0], $0xffff  }
0xff: {  	v23 =	vld.idx.msk [tilespmem:v23+s23+$0x0], $0xffff;
	(erf) = vrcp.f32 v15  }
0x100: {  	v31 =	vadd.f32 v18, v31;
	v30 =	vld.idx.msk [tilespmem:v29+s4+$0x0], $0xffff  }
0x101: {  	s6 =	sadd.s32 $0x80, s6;
	s2 =	sadd.s32 $0x80, s2;
	v15 =	vadd.f32 v26, v26;
	v29 =	vld.idx.msk [tilespmem:v32+s23+$0x0], $0xffff  }
0x102: {  	_ =	sdelay $0x3  }
0x103: {  	v32 =	vadd.f32 v29, v11;
	_ =	sdelay $0x1  }
0x104: {  	v60 =	vadd.f32 v14, v23;
	v32 =	vadd.f32 $9.999999930e-09, v32  }
0x105: {  	v31 =	vadd.f32 $9.999999930e-09, v31;
	v33 =	vadd.f32 v24, v9  }
0x106: {  	v21 =	vld.idx.msk [tilespmem:v21+s23+$0x0], $0xffff;
	v17 =	vsub.f32 v28, v17;
	v28 =	vadd.f32 $9.999999930e-09, v60;
	(erf) = vrcp.f32 v32  }
0x107: {  	v26 =	vadd.f32 v20, v26;
	v10 =	vld.idx.msk [tilespmem:v10+s4+$0x0], $0xffff;
	v61 =	vadd.f32 $9.999999930e-09, v33;
	(erf) = vrcp.f32 v31  }
0x108: {  	v7 =	vld.idx.msk [tilespmem:v7+s4+$0x0], $0xffff;
	(erf) = vrcp.f32 v28  }
0x109: {  	v8 =	vld.idx.msk [tilespmem:v8+s4+$0x0], $0xffff;
	v26 =	vadd.f32 $9.999999930e-09, v26;
	v11 =	vadd.f32 v11, v11;
	(erf) = vrcp.f32 v61  }
0x10a: {  	v6 =	vld.idx.msk [tilespmem:v6+s4+$0x0], $0xffff;
	v31 =	vadd.f32 v12, v22  }
0x10b: {  	v11 =	vmul.f32 v29, v11;
	v29 =	vpop (erf);
	v28 =	vadd.f32 v21, v16;
	(erf) = vrcp.f32 v26  }
0x10c: {  	[tilespmem:s30+$0x30] =	vst v13;
	v27 =	vsub.f32 v30, v27;
	v30 =	vadd.f32 $9.999999930e-09, v31  }
0x10d: {  	v5 =	vld.idx.msk [tilespmem:v5+s4+$0x0], $0xffff;
	[tilespmem:s30+$0xFFFFFFE0] =	vst v17;
	v7 =	vsub.f32 v10, v7;
	v28 =	vadd.f32 $9.999999930e-09, v28  }
0x10e: {  	v9 =	vadd.f32 v9, v9;
	[tilespmem:s30+$0x10] =	vst v27;
	v1 =	vsub.f32 v1, v8;
	(erf) = vrcp.f32 v30  }
0x10f: {  	v0 =	vsub.f32 v6, v0;
	[tilespmem:s30+$0xFFFFFFF0] =	vst v7;
	v17 =	vpop (erf);
	(erf) = vrcp.f32 v28  }
0x110: {  	v7 =	vmul.f32 v24, v9;
	[tilespmem:s30+$0xFFFFFFD0] =	vst v1;
	v11 =	vmul.f32 v17, v11;
	v13 =	vpop (erf)  }
0x111: {  	v4 =	vld.idx.msk [tilespmem:v4+s4+$0x0], $0xffff;
	v10 =	vmul.f32 v29, v25;
	[tilespmem:s30+$0xFFFFFFC0] =	vst v0;
	v8 =	vpop (erf)  }
0x112: {  	v3 =	vsub.f32 v5, v3;
	v5 =	vadd.f32 v23, v23;
	[tilespmem:s28+$0x30] =	vst v11;
	v11 =	vmul.f32 v18, v19;
	v6 =	vpop (erf)  }
0x113: {  	v1 =	vmul.f32 v20, v15;
	[tilespmem:s28+$0xFFFFFFF0] =	vst v10;
	v10 =	vadd.f32 v16, v16;
	v0 =	vmul.f32 v6, v7  }
0x114: {  	[tilespmem:s30+$0x20] =	vst v3;
	v6 =	vadd.f32 v22, v22;
	v7 =	vpop (erf);
	v9 =	vmul.f32 v13, v11  }
0x115: {  	v3 =	vmul.f32 v14, v5;
	v1 =	vmul.f32 v7, v1;
	[tilespmem:s28+$0xFFFFFFD0] =	vst v0  }
0x116: {  	v2 =	vsub.f32 v2, v4;
	v0 =	vmul.f32 v12, v6;
	[tilespmem:s28+$0xFFFFFFC0] =	vst v9  }
0x117: {  	v9 =	vmul.f32 v21, v10;
	v10 =	vpop (erf);
	[tilespmem:s28+$0x20] =	vst v1;
	v1 =	vmul.f32 v8, v3  }
0x118: {  	[tilespmem:s30+$0x0] =	vst v2;
	v0 =	vmul.f32 v10, v0;
	v6 =	vpop (erf)  }
0x119: {  	[tilespmem:s28+$0xFFFFFFE0] =	vst v1;
	v4 =	vmul.f32 v6, v9  }
0x11a: {  	[tilespmem:s28+$0x0] =	vst v0  }
0x11b: {  	s2 =	simm.s32 $0x8180;
	[tilespmem:s28+$0x10] =	vst v4  }
0x11c: {  	[hbm4b:s13+s4] =	stream.linear.scatter [tilespmem:s2], [sflag:$0x4], $0xA00, $0x38;
	[tilespmem:$0x9F80] =	vst v63  }
0x11d: {  	_ = 	snop  }
0x11e: {  	[hbm4b:s14+s4] =	stream.linear.scatter [tilespmem:s1], [sflag:$0x4], $0xA00, $0x38;
	[tilespmem:$0x9F80] =	vst v63  }
0x11f: {  	s26 =	simm.s32 $0x5980  }
0x120: {  	[tilespmem:s26], [sflag:$0x2] =	stream.linear.gather [hbm4b:s15+s4], $0xA00, $0x38;
	[tilespmem:$0x9F80] =	vst v63  }
0x121: {  	s5 =	simm.s32 $0x6D80  }
0x122: {  	[tilespmem:s5], [sflag:$0x2] =	stream.linear.gather [hbm4b:s16+s4], $0xA00, $0x38;
	[tilespmem:$0x9F80] =	vst v63  }
0x123: {  	_ =	swait.ge [sflag:s29], $0xA00  }
0x124: {  	[sflag:s29] =	ssyncset.done $0x0  }
0x125: {  	[sflag:s29] =	ssyncadd.s32 $0xFFFFF600  }
0x126: {  	_ =	swait.ge [sflag:s29], $0xA00  }
0x127: {  	[sflag:s29] =	ssyncset.done $0x0  }
0x128: {  	[sflag:s29] =	ssyncadd.s32 $0xFFFFF600  }
0x129: {  	_ =	swait.ge [sflag:s3], $0xA00  }
0x12a: {  	[sflag:s3] =	ssyncset.done $0x0  }
0x12b: {  	[sflag:s3] =	ssyncadd.s32 $0xFFFFF600  }
0x12c: {  	_ =	swait.ge [sflag:s3], $0xA00  }
0x12d: {  	[sflag:s3] =	ssyncset.done $0x0  }
0x12e: {  	s6 =	simm.s32 $0x4FC0;
	[sflag:s3] =	ssyncadd.s32 $0xFFFFF600  }
0x12f: {  	s26 =	simm.s32 $0x63C0;
	v0 =	vld [tilespmem:s6+$0x30]  }
0x130: {  	v1 =	vld [tilespmem:s26+$0xFFFFFFE0]  }
0x131: {  	v2 =	vld [tilespmem:s6+$0xFFFFFFF0]  }
0x132: {  	v3 =	vld [tilespmem:s26+$0xFFFFFFF0]  }
0x133: {  	v4 =	vld [tilespmem:s6+$0x0]  }
0x134: {  	v5 =	vld [tilespmem:s26+$0x0]  }
0x135: {  	v6 =	vld [tilespmem:s6+$0xFFFFFFD0]  }
0x136: {  	v7 =	vld [tilespmem:s26+$0xFFFFFFC0]  }
0x137: {  	v8 =	vld [tilespmem:s6+$0x10]  }
0x138: {  	v11 =	vld [tilespmem:s26+$0x20];
	vm0 =	vgt.s32 v0, $0x0  }
0x139: {  	v10 =	vld [tilespmem:s6+$0x20];
	v0 =	vnsel vm0, $0x0, v0  }
0x13a: {  	v12 =	vld [tilespmem:s6+$0xFFFFFFE0];
	vm14 =	vgt.s32 v6, $0x0;
	v0 =	vmin.u32 v0, $0x270F  }
0x13b: {  	v9 =	vld [tilespmem:s6+$0xFFFFFFC0];
	vm1 =	vgt.s32 v7, $0x0;
	v6 =	vnsel vm14, $0x0, v6  }
0x13c: {  	v13 =	vld [tilespmem:s26+$0xFFFFFFD0];
	vm15 =	vgt.s32 v1, $0x0;
	v7 =	vnsel vm1, $0x0, v7;
	v6 =	vmin.u32 v6, $0x270F  }
0x13d: {  	v14 =	vld [tilespmem:s26+$0x30];
	vm4 =	vgt.s32 v4, $0x0;
	vm5 =	vgt.s32 v11, $0x0;
	v15 =	vmin.u32 v7, $0x270F  }
0x13e: {  	v16 =	vld [tilespmem:s26+$0x10];
	vm6 =	vgt.s32 v3, $0x0;
	vm11 =	vgt.s32 v8, $0x0;
	v1 =	vnsel vm15, $0x0, v1  }
0x13f: {  	vm12 =	vgt.s32 v12, $0x0;
	v4 =	vnsel vm4, $0x0, v4;
	v18 =	vmin.u32 v1, $0x270F;
	v29 =	vld.idx.msk [tilespmem:v0+s4+$0x0], $0xffff  }
0x140: {  	v3 =	vnsel vm6, $0x0, v3;
	v1 =	vnsel vm5, $0x0, v11;
	v19 =	vmin.u32 v4, $0x270F;
	v11 =	vld.idx.msk [tilespmem:v0+s23+$0x0], $0xffff  }
0x141: {  	v8 =	vnsel vm11, $0x0, v8;
	v7 =	vmin.u32 v3, $0x270F;
	v20 =	vmin.u32 v1, $0x270F;
	v1 =	vld.idx.msk [tilespmem:v6+s4+$0x0], $0xffff  }
0x142: {  	vm8 =	vgt.s32 v9, $0x0;
	v12 =	vnsel vm12, $0x0, v12;
	v30 =	vmin.u32 v8, $0x270F;
	v0 =	vld.idx.msk [tilespmem:v15+s4+$0x0], $0xffff  }
0x143: {  	vm7 =	vgt.s32 v5, $0x0;
	v3 =	vnsel vm8, $0x0, v9;
	v23 =	vmin.u32 v12, $0x270F;
	v9 =	vld.idx.msk [tilespmem:v6+s23+$0x0], $0xffff  }
0x144: {  	vm9 =	vgt.s32 v10, $0x0;
	vm10 =	vgt.s32 v2, $0x0;
	vm13 =	vgt.s32 v14, $0x0;
	v17 =	vld.idx.msk [tilespmem:v18+s4+$0x0], $0xffff  }
0x145: {  	vm14 =	vgt.s32 v16, $0x0;
	v6 =	vmin.u32 v3, $0x270F;
	v3 =	vnsel vm10, $0x0, v2;
	v2 =	vld.idx.msk [tilespmem:v19+s4+$0x0], $0xffff  }
0x146: {  	v4 =	vnsel vm7, $0x0, v5;
	v5 =	vnsel vm9, $0x0, v10;
	v8 =	vnsel vm13, $0x0, v14;
	v25 =	vld.idx.msk [tilespmem:v7+s23+$0x0], $0xffff  }
0x147: {  	v62 =	vmin.u32 v8, $0x270F;
	v8 =	vnsel vm14, $0x0, v16;
	v16 =	vld.idx.msk [tilespmem:v30+s23+$0x0], $0xffff;
	v10 =	vmin.u32 v3, $0x270F  }
0x148: {  	v28 =	vld.idx.msk [tilespmem:v23+s4+$0x0], $0xffff  }
0x149: {  	v14 =	vld.idx.msk [tilespmem:v18+s23+$0x0], $0xffff  }
0x14a: {  	v18 =	vld.idx.msk [tilespmem:v15+s23+$0x0], $0xffff  }
0x14b: {  	v22 =	vld.idx.msk [tilespmem:v19+s23+$0x0], $0xffff  }
0x14c: {  	v24 =	vld.idx.msk [tilespmem:v10+s23+$0x0], $0xffff  }
0x14d: {  	v5 =	vmin.u32 v5, $0x270F;
	v23 =	vld.idx.msk [tilespmem:v23+s23+$0x0], $0xffff  }
0x14e: {  	v4 =	vmin.u32 v4, $0x270F;
	v30 =	vld.idx.msk [tilespmem:v30+s4+$0x0], $0xffff  }
0x14f: {  	vm15 =	vgt.s32 v13, $0x0;
	v3 =	vld.idx.msk [tilespmem:v20+s4+$0x0], $0xffff  }
0x150: {  	v21 =	vmin.u32 v8, $0x270F;
	v8 =	vnsel vm15, $0x0, v13;
	v13 =	vld.idx.msk [tilespmem:v62+s4+$0x0], $0xffff  }
0x151: {  	v31 =	vld.idx.msk [tilespmem:v6+s23+$0x0], $0xffff;
	v15 =	vadd.f32 v25, v24  }
0x152: {  	v8 =	vmin.u32 v8, $0x270F;
	v26 =	vld.idx.msk [tilespmem:v5+s23+$0x0], $0xffff  }
0x153: {  	v12 =	vld.idx.msk [tilespmem:v4+s23+$0x0], $0xffff;
	v15 =	vadd.f32 $9.999999930e-09, v15  }
0x154: {  	v20 =	vld.idx.msk [tilespmem:v20+s23+$0x0], $0xffff  }
0x155: {  	v27 =	vld.idx.msk [tilespmem:v21+s4+$0x0], $0xffff;
	v63 =	vadd.f32 v24, v24;
	(erf) = vrcp.f32 v15  }
0x156: {  	s31 =	simm.s32 $0x0;
	s30 =	simm.s32 $0x77C0;
	s28 =	simm.s32 $0x8BC0;
	v13 =	vsub.f32 v29, v13;
	v29 =	vld.idx.msk [tilespmem:v62+s23+$0x0], $0xffff;
	v19 =	vadd.f32 v31, v31  }
0x157: {  	s2 =	simm.s32 $0x8C40;
	s5 =	simm.s32 $0x77C0;
	s6 =	simm.s32 $0x5040;
	v31 =	vadd.f32 v18, v31;
	v24 =	vld.idx.msk [tilespmem:v8+s23+$0x0], $0xffff;
	v25 =	vmul.f32 v25, v63;
	v15 =	vadd.f32 v26, v26  }
.LBB2_6:
0x158: {  	s31 =	sadd.s32 $0x80, s31;
	v32 =	vld.idx.msk [tilespmem:v21+s23+$0x0], $0xffff;
	s26 =	sadd.s32 $0x80, s26;
	s5 =	sadd.s32 $0x80, s5  }
0x159: {  	v34 =	vadd.f32 v9, v9;
	v35 =	vadd.f32 v22, v22;
	v33 =	vld [tilespmem:s6+$0x30];
	p0 =	slt.u32 s31, $0x980;
	v15 =	vmul.f32 v20, v15  }
0x15a: {  	v21 =	vmul.f32 v18, v19;
	v31 =	vadd.f32 $9.999999930e-09, v31;
	v17 =	vsub.f32 v28, v17;
	v36 =	vld [tilespmem:s26+$0xFFFFFFE0]  }
0x15b: {  	v37 =	vadd.f32 v23, v23;
	v18 =	vmul.f32 v12, v35;
	v35 =	vadd.f32 v11, v11;
	v28 =	vld [tilespmem:s6+$0xFFFFFFF0]  }
0x15c: {  	v26 =	vadd.f32 v20, v26;
	v19 =	vmul.f32 v24, v34;
	v39 =	vsub.f32 v30, v27;
	v38 =	vld [tilespmem:s26+$0xFFFFFFF0];
	[tilespmem:s30+$0xFFFFFFE0] =	vst v17  }
0x15d: {  	v30 =	vadd.f32 v16, v16;
	v34 =	vmul.f32 v29, v35;
	v11 =	vadd.f32 v29, v11;
	v27 =	vld [tilespmem:s6+$0x0]  }
0x15e: {  	v20 =	vmul.f32 v14, v37;
	v16 =	vadd.f32 v32, v16;
	v29 =	vld [tilespmem:s26+$0x0];
	vm0 =	vgt.s32 v33, $0x0;
	[tilespmem:s30+$0x10] =	vst v39;
	v17 =	vpop (erf)  }
0x15f: {  	v12 =	vadd.f32 v12, v22;
	v11 =	vadd.f32 $9.999999930e-09, v11;
	v35 =	vld [tilespmem:s6+$0x10];
	v33 =	vnsel vm0, $0x0, v33  }
0x160: {  	v23 =	vadd.f32 v14, v23;
	v14 =	vmul.f32 v32, v30;
	v22 =	vld [tilespmem:s6+$0x20];
	v33 =	vmin.u32 v33, $0x270F  }
0x161: {  	v9 =	vadd.f32 v24, v9;
	v16 =	vadd.f32 $9.999999930e-09, v16;
	v30 =	vld [tilespmem:s26+$0xFFFFFFC0];
	(erf) = vrcp.f32 v11  }
0x162: {  	v12 =	vadd.f32 $9.999999930e-09, v12;
	v17 =	vmul.f32 v17, v25;
	v11 =	vadd.f32 $9.999999930e-09, v23;
	v24 =	vld [tilespmem:s6+$0xFFFFFFC0]  }
0x163: {  	v9 =	vadd.f32 $9.999999930e-09, v9;
	v23 =	vld [tilespmem:s6+$0xFFFFFFE0];
	vm0 =	vgt.s32 v29, $0x0;
	(erf) = vrcp.f32 v31  }
0x164: {  	vm1 =	vgt.s32 v27, $0x0;
	v25 =	vld [tilespmem:s26+$0xFFFFFFD0];
	v29 =	vnsel vm0, $0x0, v29;
	(erf) = vrcp.f32 v11  }
0x165: {  	v27 =	vnsel vm1, $0x0, v27;
	vm0 =	vgt.s32 v38, $0x0;
	vm1 =	vgt.s32 v35, $0x0;
	v11 =	vld [tilespmem:s6+$0xFFFFFFD0]  }
0x166: {  	vm2 =	vgt.s32 v28, $0x0;
	v31 =	vnsel vm0, $0x0, v38;
	v32 =	vld [tilespmem:s26+$0x30];
	(erf) = vrcp.f32 v9  }
0x167: {  	v28 =	vnsel vm2, $0x0, v28;
	vm0 =	vgt.s32 v36, $0x0;
	v9 =	vld.idx.msk [tilespmem:v10+s4+$0x0], $0xffff;
	v10 =	vadd.f32 $9.999999930e-09, v26  }
0x168: {  	v26 =	vnsel vm0, $0x0, v36;
	vm0 =	vgt.s32 v22, $0x0;
	vm2 =	vgt.s32 v23, $0x0;
	v36 =	vld [tilespmem:s26+$0x20]  }
0x169: {  	vm3 =	vgt.s32 v25, $0x0;
	v23 =	vnsel vm2, $0x0, v23;
	v7 =	vld.idx.msk [tilespmem:v7+s4+$0x0], $0xffff;
	(erf) = vrcp.f32 v10  }
0x16a: {  	vm2 =	vgt.s32 v11, $0x0;
	v10 =	vnsel vm3, $0x0, v25;
	v8 =	vld.idx.msk [tilespmem:v8+s4+$0x0], $0xffff;
	(erf) = vrcp.f32 v12;
	v12 =	vpop (erf)  }
0x16b: {  	vm3 =	vgt.s32 v30, $0x0;
	v25 =	vnsel vm1, $0x0, v35;
	v11 =	vnsel vm2, $0x0, v11;
	v6 =	vld.idx.msk [tilespmem:v6+s4+$0x0], $0xffff  }
0x16c: {  	v30 =	vnsel vm3, $0x0, v30;
	v35 =	vmin.u32 v11, $0x270F;
	v37 =	vld [tilespmem:s26+$0x10];
	v38 =	vpop (erf);
	(erf) = vrcp.f32 v16  }
0x16d: {  	vm1 =	vgt.s32 v32, $0x0;
	v30 =	vmin.u32 v30, $0x270F;
	v16 =	vld.idx.msk [tilespmem:v5+s4+$0x0], $0xffff;
	v5 =	vmul.f32 v12, v34;
	v12 =	vpop (erf)  }
0x16e: {  	vm2 =	vgt.s32 v24, $0x0;
	v32 =	vnsel vm1, $0x0, v32;
	vm3 =	vgt.s32 v36, $0x0;
	v34 =	vld.idx.msk [tilespmem:v33+s4+$0x0], $0xffff;
	[tilespmem:s30+$0x30] =	vst v13  }
0x16f: {  	v13 =	vmin.u32 v26, $0x270F;
	v11 =	vnsel vm3, $0x0, v36;
	v7 =	vsub.f32 v9, v7;
	v26 =	vld.idx.msk [tilespmem:v4+s4+$0x0], $0xffff;
	[tilespmem:s28+$0x30] =	vst v5;
	v36 =	vpop (erf)  }
0x170: {  	v39 =	vmin.u32 v27, $0x270F;
	v40 =	vmin.u32 v11, $0x270F;
	v11 =	vld.idx.msk [tilespmem:v33+s23+$0x0], $0xffff;
	v33 =	vsub.f32 v1, v8  }
0x171: {  	v24 =	vnsel vm2, $0x0, v24;
	v4 =	vmin.u32 v29, $0x270F;
	v5 =	vnsel vm0, $0x0, v22;
	v1 =	vld.idx.msk [tilespmem:v35+s4+$0x0], $0xffff;
	[tilespmem:s30+$0xFFFFFFF0] =	vst v7  }
0x172: {  	v8 =	vmin.u32 v10, $0x270F;
	v10 =	vsub.f32 v6, v0;
	v7 =	vmin.u32 v31, $0x270F;
	v0 =	vld.idx.msk [tilespmem:v30+s4+$0x0], $0xffff;
	[tilespmem:s28+$0xFFFFFFF0] =	vst v17;
	v22 =	vpop (erf)  }
0x173: {  	v29 =	vmul.f32 v38, v21;
	v5 =	vmin.u32 v5, $0x270F;
	vm0 =	vgt.s32 v37, $0x0;
	v9 =	vld.idx.msk [tilespmem:v35+s23+$0x0], $0xffff;
	[tilespmem:s30+$0xFFFFFFD0] =	vst v33;
	v27 =	vpop (erf)  }
0x174: {  	v23 =	vmin.u32 v23, $0x270F;
	v6 =	vmin.u32 v24, $0x270F;
	v21 =	vnsel vm0, $0x0, v37;
	v17 =	vld.idx.msk [tilespmem:v13+s4+$0x0], $0xffff;
	[tilespmem:s30+$0xFFFFFFC0] =	vst v10  }
0x175: {  	v19 =	vmul.f32 v36, v19;
	v21 =	vmin.u32 v21, $0x270F;
	v10 =	vmin.u32 v28, $0x270F;
	v24 =	vld.idx.msk [tilespmem:v39+s4+$0x0], $0xffff;
	[tilespmem:s28+$0xFFFFFFC0] =	vst v29;
	v28 =	vpop (erf)  }
0x176: {  	v16 =	vsub.f32 v16, v3;
	v15 =	vmul.f32 v22, v15;
	v18 =	vmul.f32 v27, v18;
	v3 =	vld.idx.msk [tilespmem:v40+s4+$0x0], $0xffff  }
0x177: {  	v32 =	vmin.u32 v32, $0x270F;
	v29 =	vmin.u32 v25, $0x270F;
	v22 =	vld.idx.msk [tilespmem:v7+s23+$0x0], $0xffff;
	[tilespmem:s28+$0xFFFFFFD0] =	vst v19;
	v19 =	vmul.f32 v12, v20  }
0x178: {  	v14 =	vmul.f32 v28, v14;
	v20 =	vsub.f32 v2, v26;
	v12 =	vld.idx.msk [tilespmem:v4+s23+$0x0], $0xffff;
	[tilespmem:s30+$0x20] =	vst v16  }
0x179: {  	v31 =	vld.idx.msk [tilespmem:v6+s23+$0x0], $0xffff;
	[tilespmem:s28+$0x20] =	vst v15  }
0x17a: {  	v26 =	vld.idx.msk [tilespmem:v5+s23+$0x0], $0xffff;
	[tilespmem:s30+$0x0] =	vst v20;
	s30 =	smov.u32 s5  }
0x17b: {  	v2 =	vmov v24;
	v15 =	vld.idx.msk [tilespmem:v10+s23+$0x0], $0xffff;
	[tilespmem:s28+$0x10] =	vst v14  }
0x17c: {  	v16 =	vld.idx.msk [tilespmem:v29+s23+$0x0], $0xffff;
	[tilespmem:s28+$0x0] =	vst v18  }
0x17d: {  	v28 =	vld.idx.msk [tilespmem:v23+s4+$0x0], $0xffff;
	[tilespmem:s28+$0xFFFFFFE0] =	vst v19;
	s28 =	smov.u32 s2  }
0x17e: {  	v33 =	vld.idx.msk [tilespmem:v32+s4+$0x0], $0xffff  }
0x17f: {  	v19 =	vadd.f32 v31, v31;
	v14 =	vld.idx.msk [tilespmem:v13+s23+$0x0], $0xffff  }
0x180: {  	v18 =	vld.idx.msk [tilespmem:v30+s23+$0x0], $0xffff  }
0x181: {  	v13 =	vadd.f32 v15, v15;
	v15 =	vadd.f32 v22, v15;
	v27 =	vld.idx.msk [tilespmem:v21+s4+$0x0], $0xffff  }
0x182: {  	v20 =	vld.idx.msk [tilespmem:v40+s23+$0x0], $0xffff  }
.Ltmp2:
0x183: {  	v25 =	vmul.f32 v22, v13;
	v15 =	vadd.f32 $9.999999930e-09, v15;
	v22 =	vld.idx.msk [tilespmem:v39+s23+$0x0], $0xffff;
	(pc) =	sbr.rel @p0 .LBB2_6-.Ltmp2, $4  }
0x184: {  	v13 =	vsub.f32 v34, v33;
	v24 =	vld.idx.msk [tilespmem:v8+s23+$0x0], $0xffff  }
0x185: {  	v23 =	vld.idx.msk [tilespmem:v23+s23+$0x0], $0xffff;
	(erf) = vrcp.f32 v15  }
0x186: {  	v31 =	vadd.f32 v18, v31;
	v30 =	vld.idx.msk [tilespmem:v29+s4+$0x0], $0xffff  }
0x187: {  	s6 =	sadd.s32 $0x80, s6;
	s2 =	sadd.s32 $0x80, s2;
	v15 =	vadd.f32 v26, v26;
	v29 =	vld.idx.msk [tilespmem:v32+s23+$0x0], $0xffff  }
0x188: {  	_ =	sdelay $0x3  }
0x189: {  	v32 =	vadd.f32 v29, v11;
	_ =	sdelay $0x1  }
0x18a: {  	v60 =	vadd.f32 v14, v23;
	v32 =	vadd.f32 $9.999999930e-09, v32  }
0x18b: {  	v31 =	vadd.f32 $9.999999930e-09, v31;
	v33 =	vadd.f32 v24, v9  }
0x18c: {  	v21 =	vld.idx.msk [tilespmem:v21+s23+$0x0], $0xffff;
	v17 =	vsub.f32 v28, v17;
	v28 =	vadd.f32 $9.999999930e-09, v60;
	(erf) = vrcp.f32 v32  }
0x18d: {  	v26 =	vadd.f32 v20, v26;
	v10 =	vld.idx.msk [tilespmem:v10+s4+$0x0], $0xffff;
	v61 =	vadd.f32 $9.999999930e-09, v33;
	(erf) = vrcp.f32 v31  }
0x18e: {  	v7 =	vld.idx.msk [tilespmem:v7+s4+$0x0], $0xffff;
	(erf) = vrcp.f32 v28  }
0x18f: {  	v8 =	vld.idx.msk [tilespmem:v8+s4+$0x0], $0xffff;
	v26 =	vadd.f32 $9.999999930e-09, v26;
	v11 =	vadd.f32 v11, v11;
	(erf) = vrcp.f32 v61  }
0x190: {  	v6 =	vld.idx.msk [tilespmem:v6+s4+$0x0], $0xffff;
	v31 =	vadd.f32 v12, v22  }
0x191: {  	v11 =	vmul.f32 v29, v11;
	v29 =	vpop (erf);
	v28 =	vadd.f32 v21, v16;
	(erf) = vrcp.f32 v26  }
0x192: {  	[tilespmem:s30+$0x30] =	vst v13;
	v27 =	vsub.f32 v30, v27;
	v30 =	vadd.f32 $9.999999930e-09, v31  }
0x193: {  	v5 =	vld.idx.msk [tilespmem:v5+s4+$0x0], $0xffff;
	[tilespmem:s30+$0xFFFFFFE0] =	vst v17;
	v7 =	vsub.f32 v10, v7;
	v28 =	vadd.f32 $9.999999930e-09, v28  }
0x194: {  	v9 =	vadd.f32 v9, v9;
	[tilespmem:s30+$0x10] =	vst v27;
	v1 =	vsub.f32 v1, v8;
	(erf) = vrcp.f32 v30  }
0x195: {  	v0 =	vsub.f32 v6, v0;
	[tilespmem:s30+$0xFFFFFFF0] =	vst v7;
	v17 =	vpop (erf);
	(erf) = vrcp.f32 v28  }
0x196: {  	v7 =	vmul.f32 v24, v9;
	[tilespmem:s30+$0xFFFFFFD0] =	vst v1;
	v11 =	vmul.f32 v17, v11;
	v13 =	vpop (erf)  }
0x197: {  	v4 =	vld.idx.msk [tilespmem:v4+s4+$0x0], $0xffff;
	v10 =	vmul.f32 v29, v25;
	[tilespmem:s30+$0xFFFFFFC0] =	vst v0;
	v8 =	vpop (erf)  }
0x198: {  	v3 =	vsub.f32 v5, v3;
	v5 =	vadd.f32 v23, v23;
	[tilespmem:s28+$0x30] =	vst v11;
	v11 =	vmul.f32 v18, v19;
	v6 =	vpop (erf)  }
0x199: {  	v1 =	vmul.f32 v20, v15;
	[tilespmem:s28+$0xFFFFFFF0] =	vst v10;
	v10 =	vadd.f32 v16, v16;
	v0 =	vmul.f32 v6, v7  }
0x19a: {  	[tilespmem:s30+$0x20] =	vst v3;
	v6 =	vadd.f32 v22, v22;
	v7 =	vpop (erf);
	v9 =	vmul.f32 v13, v11  }
0x19b: {  	v3 =	vmul.f32 v14, v5;
	v1 =	vmul.f32 v7, v1;
	[tilespmem:s28+$0xFFFFFFD0] =	vst v0  }
0x19c: {  	v2 =	vsub.f32 v2, v4;
	v0 =	vmul.f32 v12, v6;
	[tilespmem:s28+$0xFFFFFFC0] =	vst v9  }
0x19d: {  	v9 =	vmul.f32 v21, v10;
	v10 =	vpop (erf);
	[tilespmem:s28+$0x20] =	vst v1;
	v1 =	vmul.f32 v8, v3  }
0x19e: {  	[tilespmem:s30+$0x0] =	vst v2;
	v0 =	vmul.f32 v10, v0;
	v6 =	vpop (erf)  }
0x19f: {  	[tilespmem:s28+$0xFFFFFFE0] =	vst v1;
	v4 =	vmul.f32 v6, v9  }
0x1a0: {  	[tilespmem:s28+$0x0] =	vst v0  }
0x1a1: {  	s2 =	simm.s32 $0x7780;
	[tilespmem:s28+$0x10] =	vst v4  }
0x1a2: {  	[hbm4b:s17+s4] =	stream.linear.scatter [tilespmem:s2], [sflag:$0x3], $0xA00, $0x38;
	[tilespmem:$0x9F80] =	vst v63  }
0x1a3: {  	s5 =	simm.s32 $0x8B80  }
0x1a4: {  	[hbm4b:s18+s4] =	stream.linear.scatter [tilespmem:s5], [sflag:$0x3], $0xA00, $0x38;
	[tilespmem:$0x9F80] =	vst v63  }
0x1a5: {  	_ =	swait.ge [sflag:s0], $0xA00  }
0x1a6: {  	[sflag:s0] =	ssyncset.done $0x0  }
0x1a7: {  	[sflag:s0] =	ssyncadd.s32 $0xFFFFF600  }
0x1a8: {  	_ =	swait.ge [sflag:s0], $0xA00  }
0x1a9: {  	[sflag:s0] =	ssyncset.done $0x0  }
0x1aa: {  	[sflag:s0] =	ssyncadd.s32 $0xFFFFF600  }
0x1ab: {  	_ =	swait.ge [sflag:s24], $0xA00  }
0x1ac: {  	[sflag:s24] =	ssyncset.done $0x0  }
0x1ad: {  	[sflag:s24] =	ssyncadd.s32 $0xFFFFF600  }
0x1ae: {  	_ =	swait.ge [sflag:s24], $0xA00  }
0x1af: {  	[sflag:s24] =	ssyncset.done $0x0  }
0x1b0: {  	s6 =	simm.s32 $0x59C0;
	[sflag:s24] =	ssyncadd.s32 $0xFFFFF600  }
0x1b1: {  	s26 =	simm.s32 $0x6DC0;
	v0 =	vld [tilespmem:s6+$0x30]  }
0x1b2: {  	v1 =	vld [tilespmem:s26+$0xFFFFFFE0]  }
0x1b3: {  	v2 =	vld [tilespmem:s6+$0xFFFFFFF0]  }
0x1b4: {  	v3 =	vld [tilespmem:s26+$0xFFFFFFF0]  }
0x1b5: {  	v4 =	vld [tilespmem:s6+$0x0]  }
0x1b6: {  	v5 =	vld [tilespmem:s26+$0x0]  }
0x1b7: {  	v6 =	vld [tilespmem:s6+$0xFFFFFFD0]  }
0x1b8: {  	v7 =	vld [tilespmem:s26+$0xFFFFFFC0]  }
0x1b9: {  	v8 =	vld [tilespmem:s6+$0x10]  }
0x1ba: {  	v11 =	vld [tilespmem:s26+$0x20];
	vm0 =	vgt.s32 v0, $0x0  }
0x1bb: {  	v10 =	vld [tilespmem:s6+$0x20];
	v0 =	vnsel vm0, $0x0, v0  }
0x1bc: {  	v12 =	vld [tilespmem:s6+$0xFFFFFFE0];
	vm14 =	vgt.s32 v6, $0x0;
	v0 =	vmin.u32 v0, $0x270F  }
0x1bd: {  	v9 =	vld [tilespmem:s6+$0xFFFFFFC0];
	vm1 =	vgt.s32 v7, $0x0;
	v6 =	vnsel vm14, $0x0, v6  }
0x1be: {  	v13 =	vld [tilespmem:s26+$0xFFFFFFD0];
	vm15 =	vgt.s32 v1, $0x0;
	v7 =	vnsel vm1, $0x0, v7;
	v6 =	vmin.u32 v6, $0x270F  }
0x1bf: {  	v14 =	vld [tilespmem:s26+$0x30];
	vm4 =	vgt.s32 v4, $0x0;
	vm5 =	vgt.s32 v11, $0x0;
	v15 =	vmin.u32 v7, $0x270F  }
0x1c0: {  	v16 =	vld [tilespmem:s26+$0x10];
	vm6 =	vgt.s32 v3, $0x0;
	vm11 =	vgt.s32 v8, $0x0;
	v1 =	vnsel vm15, $0x0, v1  }
0x1c1: {  	vm12 =	vgt.s32 v12, $0x0;
	v4 =	vnsel vm4, $0x0, v4;
	v18 =	vmin.u32 v1, $0x270F;
	v29 =	vld.idx.msk [tilespmem:v0+s4+$0x0], $0xffff  }
0x1c2: {  	v3 =	vnsel vm6, $0x0, v3;
	v1 =	vnsel vm5, $0x0, v11;
	v19 =	vmin.u32 v4, $0x270F;
	v11 =	vld.idx.msk [tilespmem:v0+s23+$0x0], $0xffff  }
0x1c3: {  	v8 =	vnsel vm11, $0x0, v8;
	v7 =	vmin.u32 v3, $0x270F;
	v20 =	vmin.u32 v1, $0x270F;
	v1 =	vld.idx.msk [tilespmem:v6+s4+$0x0], $0xffff  }
0x1c4: {  	vm8 =	vgt.s32 v9, $0x0;
	v12 =	vnsel vm12, $0x0, v12;
	v30 =	vmin.u32 v8, $0x270F;
	v0 =	vld.idx.msk [tilespmem:v15+s4+$0x0], $0xffff  }
0x1c5: {  	vm7 =	vgt.s32 v5, $0x0;
	v3 =	vnsel vm8, $0x0, v9;
	v23 =	vmin.u32 v12, $0x270F;
	v9 =	vld.idx.msk [tilespmem:v6+s23+$0x0], $0xffff  }
0x1c6: {  	vm9 =	vgt.s32 v10, $0x0;
	vm10 =	vgt.s32 v2, $0x0;
	vm13 =	vgt.s32 v14, $0x0;
	v17 =	vld.idx.msk [tilespmem:v18+s4+$0x0], $0xffff  }
0x1c7: {  	vm14 =	vgt.s32 v16, $0x0;
	v6 =	vmin.u32 v3, $0x270F;
	v3 =	vnsel vm10, $0x0, v2;
	v2 =	vld.idx.msk [tilespmem:v19+s4+$0x0], $0xffff  }
0x1c8: {  	v4 =	vnsel vm7, $0x0, v5;
	v5 =	vnsel vm9, $0x0, v10;
	v8 =	vnsel vm13, $0x0, v14;
	v25 =	vld.idx.msk [tilespmem:v7+s23+$0x0], $0xffff  }
0x1c9: {  	v62 =	vmin.u32 v8, $0x270F;
	v8 =	vnsel vm14, $0x0, v16;
	v16 =	vld.idx.msk [tilespmem:v30+s23+$0x0], $0xffff;
	v10 =	vmin.u32 v3, $0x270F  }
0x1ca: {  	v28 =	vld.idx.msk [tilespmem:v23+s4+$0x0], $0xffff  }
0x1cb: {  	v14 =	vld.idx.msk [tilespmem:v18+s23+$0x0], $0xffff  }
0x1cc: {  	v18 =	vld.idx.msk [tilespmem:v15+s23+$0x0], $0xffff  }
0x1cd: {  	v22 =	vld.idx.msk [tilespmem:v19+s23+$0x0], $0xffff  }
0x1ce: {  	v24 =	vld.idx.msk [tilespmem:v10+s23+$0x0], $0xffff  }
0x1cf: {  	v5 =	vmin.u32 v5, $0x270F;
	v23 =	vld.idx.msk [tilespmem:v23+s23+$0x0], $0xffff  }
0x1d0: {  	v4 =	vmin.u32 v4, $0x270F;
	v30 =	vld.idx.msk [tilespmem:v30+s4+$0x0], $0xffff  }
0x1d1: {  	vm15 =	vgt.s32 v13, $0x0;
	v3 =	vld.idx.msk [tilespmem:v20+s4+$0x0], $0xffff  }
0x1d2: {  	v21 =	vmin.u32 v8, $0x270F;
	v8 =	vnsel vm15, $0x0, v13;
	v13 =	vld.idx.msk [tilespmem:v62+s4+$0x0], $0xffff  }
0x1d3: {  	v31 =	vld.idx.msk [tilespmem:v6+s23+$0x0], $0xffff;
	v15 =	vadd.f32 v25, v24  }
0x1d4: {  	v8 =	vmin.u32 v8, $0x270F;
	v26 =	vld.idx.msk [tilespmem:v5+s23+$0x0], $0xffff  }
0x1d5: {  	v12 =	vld.idx.msk [tilespmem:v4+s23+$0x0], $0xffff;
	v15 =	vadd.f32 $9.999999930e-09, v15  }
0x1d6: {  	v20 =	vld.idx.msk [tilespmem:v20+s23+$0x0], $0xffff  }
0x1d7: {  	v27 =	vld.idx.msk [tilespmem:v21+s4+$0x0], $0xffff;
	v63 =	vadd.f32 v24, v24;
	(erf) = vrcp.f32 v15  }
0x1d8: {  	s31 =	simm.s32 $0x0;
	s30 =	simm.s32 $0x81C0;
	s28 =	simm.s32 $0x95C0;
	v13 =	vsub.f32 v29, v13;
	v29 =	vld.idx.msk [tilespmem:v62+s23+$0x0], $0xffff;
	v19 =	vadd.f32 v31, v31  }
0x1d9: {  	s2 =	simm.s32 $0x9640;
	s5 =	simm.s32 $0x81C0;
	s6 =	simm.s32 $0x5A40;
	v31 =	vadd.f32 v18, v31;
	v24 =	vld.idx.msk [tilespmem:v8+s23+$0x0], $0xffff;
	v25 =	vmul.f32 v25, v63;
	v15 =	vadd.f32 v26, v26  }
.LBB2_8:
0x1da: {  	s31 =	sadd.s32 $0x80, s31;
	v32 =	vld.idx.msk [tilespmem:v21+s23+$0x0], $0xffff;
	s26 =	sadd.s32 $0x80, s26;
	s5 =	sadd.s32 $0x80, s5  }
0x1db: {  	v34 =	vadd.f32 v9, v9;
	v35 =	vadd.f32 v22, v22;
	v33 =	vld [tilespmem:s6+$0x30];
	p0 =	slt.u32 s31, $0x980;
	v15 =	vmul.f32 v20, v15  }
0x1dc: {  	v21 =	vmul.f32 v18, v19;
	v31 =	vadd.f32 $9.999999930e-09, v31;
	v17 =	vsub.f32 v28, v17;
	v36 =	vld [tilespmem:s26+$0xFFFFFFE0]  }
0x1dd: {  	v37 =	vadd.f32 v23, v23;
	v18 =	vmul.f32 v12, v35;
	v35 =	vadd.f32 v11, v11;
	v28 =	vld [tilespmem:s6+$0xFFFFFFF0]  }
0x1de: {  	v26 =	vadd.f32 v20, v26;
	v19 =	vmul.f32 v24, v34;
	v39 =	vsub.f32 v30, v27;
	v38 =	vld [tilespmem:s26+$0xFFFFFFF0];
	[tilespmem:s30+$0xFFFFFFE0] =	vst v17  }
0x1df: {  	v30 =	vadd.f32 v16, v16;
	v34 =	vmul.f32 v29, v35;
	v11 =	vadd.f32 v29, v11;
	v27 =	vld [tilespmem:s6+$0x0]  }
0x1e0: {  	v20 =	vmul.f32 v14, v37;
	v16 =	vadd.f32 v32, v16;
	v29 =	vld [tilespmem:s26+$0x0];
	vm0 =	vgt.s32 v33, $0x0;
	[tilespmem:s30+$0x10] =	vst v39;
	v17 =	vpop (erf)  }
0x1e1: {  	v12 =	vadd.f32 v12, v22;
	v11 =	vadd.f32 $9.999999930e-09, v11;
	v35 =	vld [tilespmem:s6+$0x10];
	v33 =	vnsel vm0, $0x0, v33  }
0x1e2: {  	v23 =	vadd.f32 v14, v23;
	v14 =	vmul.f32 v32, v30;
	v22 =	vld [tilespmem:s6+$0x20];
	v33 =	vmin.u32 v33, $0x270F  }
0x1e3: {  	v9 =	vadd.f32 v24, v9;
	v16 =	vadd.f32 $9.999999930e-09, v16;
	v30 =	vld [tilespmem:s26+$0xFFFFFFC0];
	(erf) = vrcp.f32 v11  }
0x1e4: {  	v12 =	vadd.f32 $9.999999930e-09, v12;
	v17 =	vmul.f32 v17, v25;
	v11 =	vadd.f32 $9.999999930e-09, v23;
	v24 =	vld [tilespmem:s6+$0xFFFFFFC0]  }
0x1e5: {  	v9 =	vadd.f32 $9.999999930e-09, v9;
	v23 =	vld [tilespmem:s6+$0xFFFFFFE0];
	vm0 =	vgt.s32 v29, $0x0;
	(erf) = vrcp.f32 v31  }
0x1e6: {  	vm1 =	vgt.s32 v27, $0x0;
	v25 =	vld [tilespmem:s26+$0xFFFFFFD0];
	v29 =	vnsel vm0, $0x0, v29;
	(erf) = vrcp.f32 v11  }
0x1e7: {  	v27 =	vnsel vm1, $0x0, v27;
	vm0 =	vgt.s32 v38, $0x0;
	vm1 =	vgt.s32 v35, $0x0;
	v11 =	vld [tilespmem:s6+$0xFFFFFFD0]  }
0x1e8: {  	vm2 =	vgt.s32 v28, $0x0;
	v31 =	vnsel vm0, $0x0, v38;
	v32 =	vld [tilespmem:s26+$0x30];
	(erf) = vrcp.f32 v9  }
0x1e9: {  	v28 =	vnsel vm2, $0x0, v28;
	vm0 =	vgt.s32 v36, $0x0;
	v9 =	vld.idx.msk [tilespmem:v10+s4+$0x0], $0xffff;
	v10 =	vadd.f32 $9.999999930e-09, v26  }
0x1ea: {  	v26 =	vnsel vm0, $0x0, v36;
	vm0 =	vgt.s32 v22, $0x0;
	vm2 =	vgt.s32 v23, $0x0;
	v36 =	vld [tilespmem:s26+$0x20]  }
0x1eb: {  	vm3 =	vgt.s32 v25, $0x0;
	v23 =	vnsel vm2, $0x0, v23;
	v7 =	vld.idx.msk [tilespmem:v7+s4+$0x0], $0xffff;
	(erf) = vrcp.f32 v10  }
0x1ec: {  	vm2 =	vgt.s32 v11, $0x0;
	v10 =	vnsel vm3, $0x0, v25;
	v8 =	vld.idx.msk [tilespmem:v8+s4+$0x0], $0xffff;
	(erf) = vrcp.f32 v12;
	v12 =	vpop (erf)  }
0x1ed: {  	vm3 =	vgt.s32 v30, $0x0;
	v25 =	vnsel vm1, $0x0, v35;
	v11 =	vnsel vm2, $0x0, v11;
	v6 =	vld.idx.msk [tilespmem:v6+s4+$0x0], $0xffff  }
0x1ee: {  	v30 =	vnsel vm3, $0x0, v30;
	v35 =	vmin.u32 v11, $0x270F;
	v37 =	vld [tilespmem:s26+$0x10];
	v38 =	vpop (erf);
	(erf) = vrcp.f32 v16  }
0x1ef: {  	vm1 =	vgt.s32 v32, $0x0;
	v30 =	vmin.u32 v30, $0x270F;
	v16 =	vld.idx.msk [tilespmem:v5+s4+$0x0], $0xffff;
	v5 =	vmul.f32 v12, v34;
	v12 =	vpop (erf)  }
0x1f0: {  	vm2 =	vgt.s32 v24, $0x0;
	v32 =	vnsel vm1, $0x0, v32;
	vm3 =	vgt.s32 v36, $0x0;
	v34 =	vld.idx.msk [tilespmem:v33+s4+$0x0], $0xffff;
	[tilespmem:s30+$0x30] =	vst v13  }
0x1f1: {  	v13 =	vmin.u32 v26, $0x270F;
	v11 =	vnsel vm3, $0x0, v36;
	v7 =	vsub.f32 v9, v7;
	v26 =	vld.idx.msk [tilespmem:v4+s4+$0x0], $0xffff;
	[tilespmem:s28+$0x30] =	vst v5;
	v36 =	vpop (erf)  }
0x1f2: {  	v39 =	vmin.u32 v27, $0x270F;
	v40 =	vmin.u32 v11, $0x270F;
	v11 =	vld.idx.msk [tilespmem:v33+s23+$0x0], $0xffff;
	v33 =	vsub.f32 v1, v8  }
0x1f3: {  	v24 =	vnsel vm2, $0x0, v24;
	v4 =	vmin.u32 v29, $0x270F;
	v5 =	vnsel vm0, $0x0, v22;
	v1 =	vld.idx.msk [tilespmem:v35+s4+$0x0], $0xffff;
	[tilespmem:s30+$0xFFFFFFF0] =	vst v7  }
0x1f4: {  	v8 =	vmin.u32 v10, $0x270F;
	v10 =	vsub.f32 v6, v0;
	v7 =	vmin.u32 v31, $0x270F;
	v0 =	vld.idx.msk [tilespmem:v30+s4+$0x0], $0xffff;
	[tilespmem:s28+$0xFFFFFFF0] =	vst v17;
	v22 =	vpop (erf)  }
0x1f5: {  	v29 =	vmul.f32 v38, v21;
	v5 =	vmin.u32 v5, $0x270F;
	vm0 =	vgt.s32 v37, $0x0;
	v9 =	vld.idx.msk [tilespmem:v35+s23+$0x0], $0xffff;
	[tilespmem:s30+$0xFFFFFFD0] =	vst v33;
	v27 =	vpop (erf)  }
0x1f6: {  	v23 =	vmin.u32 v23, $0x270F;
	v6 =	vmin.u32 v24, $0x270F;
	v21 =	vnsel vm0, $0x0, v37;
	v17 =	vld.idx.msk [tilespmem:v13+s4+$0x0], $0xffff;
	[tilespmem:s30+$0xFFFFFFC0] =	vst v10  }
0x1f7: {  	v19 =	vmul.f32 v36, v19;
	v21 =	vmin.u32 v21, $0x270F;
	v10 =	vmin.u32 v28, $0x270F;
	v24 =	vld.idx.msk [tilespmem:v39+s4+$0x0], $0xffff;
	[tilespmem:s28+$0xFFFFFFC0] =	vst v29;
	v28 =	vpop (erf)  }
0x1f8: {  	v16 =	vsub.f32 v16, v3;
	v15 =	vmul.f32 v22, v15;
	v18 =	vmul.f32 v27, v18;
	v3 =	vld.idx.msk [tilespmem:v40+s4+$0x0], $0xffff  }
0x1f9: {  	v32 =	vmin.u32 v32, $0x270F;
	v29 =	vmin.u32 v25, $0x270F;
	v22 =	vld.idx.msk [tilespmem:v7+s23+$0x0], $0xffff;
	[tilespmem:s28+$0xFFFFFFD0] =	vst v19;
	v19 =	vmul.f32 v12, v20  }
0x1fa: {  	v14 =	vmul.f32 v28, v14;
	v20 =	vsub.f32 v2, v26;
	v12 =	vld.idx.msk [tilespmem:v4+s23+$0x0], $0xffff;
	[tilespmem:s30+$0x20] =	vst v16  }
0x1fb: {  	v31 =	vld.idx.msk [tilespmem:v6+s23+$0x0], $0xffff;
	[tilespmem:s28+$0x20] =	vst v15  }
0x1fc: {  	v26 =	vld.idx.msk [tilespmem:v5+s23+$0x0], $0xffff;
	[tilespmem:s30+$0x0] =	vst v20;
	s30 =	smov.u32 s5  }
0x1fd: {  	v2 =	vmov v24;
	v15 =	vld.idx.msk [tilespmem:v10+s23+$0x0], $0xffff;
	[tilespmem:s28+$0x10] =	vst v14  }
0x1fe: {  	v16 =	vld.idx.msk [tilespmem:v29+s23+$0x0], $0xffff;
	[tilespmem:s28+$0x0] =	vst v18  }
0x1ff: {  	v28 =	vld.idx.msk [tilespmem:v23+s4+$0x0], $0xffff;
	[tilespmem:s28+$0xFFFFFFE0] =	vst v19;
	s28 =	smov.u32 s2  }
0x200: {  	v33 =	vld.idx.msk [tilespmem:v32+s4+$0x0], $0xffff  }
0x201: {  	v19 =	vadd.f32 v31, v31;
	v14 =	vld.idx.msk [tilespmem:v13+s23+$0x0], $0xffff  }
0x202: {  	v18 =	vld.idx.msk [tilespmem:v30+s23+$0x0], $0xffff  }
0x203: {  	v13 =	vadd.f32 v15, v15;
	v15 =	vadd.f32 v22, v15;
	v27 =	vld.idx.msk [tilespmem:v21+s4+$0x0], $0xffff  }
0x204: {  	v20 =	vld.idx.msk [tilespmem:v40+s23+$0x0], $0xffff  }
.Ltmp3:
0x205: {  	v25 =	vmul.f32 v22, v13;
	v15 =	vadd.f32 $9.999999930e-09, v15;
	v22 =	vld.idx.msk [tilespmem:v39+s23+$0x0], $0xffff;
	(pc) =	sbr.rel @p0 .LBB2_8-.Ltmp3, $4  }
0x206: {  	v13 =	vsub.f32 v34, v33;
	v24 =	vld.idx.msk [tilespmem:v8+s23+$0x0], $0xffff  }
0x207: {  	v23 =	vld.idx.msk [tilespmem:v23+s23+$0x0], $0xffff;
	(erf) = vrcp.f32 v15  }
0x208: {  	v31 =	vadd.f32 v18, v31;
	v30 =	vld.idx.msk [tilespmem:v29+s4+$0x0], $0xffff  }
0x209: {  	s6 =	sadd.s32 $0x80, s6;
	s2 =	sadd.s32 $0x80, s2;
	v15 =	vadd.f32 v26, v26;
	v29 =	vld.idx.msk [tilespmem:v32+s23+$0x0], $0xffff  }
0x20a: {  	_ =	sdelay $0x3  }
0x20b: {  	v32 =	vadd.f32 v29, v11;
	_ =	sdelay $0x1  }
0x20c: {  	v32 =	vadd.f32 $9.999999930e-09, v32;
	_ =	sdelay $0x1  }
0x20d: {  	v21 =	vld.idx.msk [tilespmem:v21+s23+$0x0], $0xffff;
	(erf) = vrcp.f32 v32  }
0x20e: {  	v31 =	vadd.f32 $9.999999930e-09, v31;
	v10 =	vld.idx.msk [tilespmem:v10+s4+$0x0], $0xffff;
	v62 =	vadd.f32 v14, v23  }
0x20f: {  	v17 =	vsub.f32 v28, v17;
	v7 =	vld.idx.msk [tilespmem:v7+s4+$0x0], $0xffff;
	v33 =	vadd.f32 v24, v9  }
0x210: {  	v26 =	vadd.f32 v20, v26;
	v8 =	vld.idx.msk [tilespmem:v8+s4+$0x0], $0xffff;
	v63 =	vadd.f32 $9.999999930e-09, v62  }
0x211: {  	v38 =	vadd.f32 v12, v22;
	v6 =	vld.idx.msk [tilespmem:v6+s4+$0x0], $0xffff;
	v36 =	vadd.f32 $9.999999930e-09, v33;
	(erf) = vrcp.f32 v31  }
0x212: {  	v5 =	vld.idx.msk [tilespmem:v5+s4+$0x0], $0xffff;
	v26 =	vadd.f32 $9.999999930e-09, v26;
	v39 =	vadd.f32 v21, v16;
	(erf) = vrcp.f32 v63  }
0x213: {  	[tilespmem:s30+$0x30] =	vst v13;
	v4 =	vld.idx.msk [tilespmem:v4+s4+$0x0], $0xffff;
	v40 =	vadd.f32 $9.999999930e-09, v38;
	v27 =	vsub.f32 v30, v27;
	(erf) = vrcp.f32 v36  }
0x214: {  	[tilespmem:s30+$0xFFFFFFE0] =	vst v17;
	v7 =	vsub.f32 v10, v7;
	v41 =	vpop (erf);
	v28 =	vadd.f32 $9.999999930e-09, v39;
	(erf) = vrcp.f32 v26  }
0x215: {  	[tilespmem:s30+$0x10] =	vst v27;
	v1 =	vsub.f32 v1, v8;
	(erf) = vrcp.f32 v40  }
0x216: {  	v37 =	vadd.f32 v11, v11;
	v0 =	vsub.f32 v6, v0;
	[tilespmem:s30+$0xFFFFFFF0] =	vst v7;
	v42 =	vpop (erf);
	(erf) = vrcp.f32 v28  }
0x217: {  	v3 =	vsub.f32 v5, v3;
	[tilespmem:s30+$0xFFFFFFD0] =	vst v1  }
0x218: {  	v56 =	vadd.f32 v23, v23;
	v11 =	vmul.f32 v29, v37;
	v2 =	vsub.f32 v2, v4;
	[tilespmem:s30+$0xFFFFFFC0] =	vst v0  }
0x219: {  	v43 =	vadd.f32 v9, v9;
	v45 =	vmul.f32 v18, v19;
	v44 =	vmul.f32 v41, v25;
	[tilespmem:s30+$0x20] =	vst v3  }
0x21a: {  	v61 =	vmul.f32 v14, v56;
	[tilespmem:s30+$0x0] =	vst v2;
	v11 =	vmul.f32 v42, v11;
	v46 =	vpop (erf)  }
0x21b: {  	v54 =	vadd.f32 v22, v22;
	v47 =	vmul.f32 v24, v43;
	[tilespmem:s28+$0xFFFFFFF0] =	vst v44;
	v48 =	vpop (erf);
	v50 =	vmul.f32 v46, v45  }
0x21c: {  	v52 =	vadd.f32 v16, v16;
	v51 =	vmul.f32 v20, v15;
	[tilespmem:s28+$0x30] =	vst v11;
	v49 =	vpop (erf);
	v63 =	vmul.f32 v48, v61  }
0x21d: {  	v59 =	vmul.f32 v12, v54;
	v53 =	vmul.f32 v49, v47;
	v55 =	vpop (erf);
	[tilespmem:s28+$0xFFFFFFC0] =	vst v50  }
0x21e: {  	v57 =	vmul.f32 v21, v52;
	v58 =	vpop (erf);
	v1 =	vmul.f32 v55, v51;
	[tilespmem:s28+$0xFFFFFFE0] =	vst v63  }
0x21f: {  	[tilespmem:s28+$0xFFFFFFD0] =	vst v53;
	v0 =	vmul.f32 v58, v59;
	v60 =	vpop (erf)  }
0x220: {  	[tilespmem:s28+$0x20] =	vst v1;
	v62 =	vmul.f32 v60, v57  }
0x221: {  	[tilespmem:s28+$0x0] =	vst v0  }
0x222: {  	s2 =	simm.s32 $0x8180;
	[tilespmem:s28+$0x10] =	vst v62  }
0x223: {  	[hbm4b:s19+s4] =	stream.linear.scatter [tilespmem:s2], [sflag:$0x4], $0xA00, $0x38;
	[tilespmem:$0x9F80] =	vst v63  }
0x224: {  	_ = 	snop  }
0x225: {  	[hbm4b:s20+s4] =	stream.linear.scatter [tilespmem:s1], [sflag:$0x4], $0xA00, $0x38;
	[tilespmem:$0x9F80] =	vst v63  }
0x226: {  	_ =	swait.ge [sflag:s3], $0xA00  }
0x227: {  	[sflag:s3] =	ssyncset.done $0x0  }
0x228: {  	[sflag:s3] =	ssyncadd.s32 $0xFFFFF600  }
0x229: {  	_ =	swait.ge [sflag:s3], $0xA00  }
0x22a: {  	[sflag:s3] =	ssyncset.done $0x0  }
0x22b: {  	s25 =	sadd.s32 $0x1, s25;
	[sflag:s3] =	ssyncadd.s32 $0xFFFFF600  }
0x22c: {  	p0 =	sne.s32 s25, s21;
	_ =	swait.ge [sflag:s24], $0xA00  }
.Ltmp4:
0x22d: {  	[sflag:s24] =	ssyncset.done $0x0;
	(pc) =	sbr.rel @p0 .LBB2_1-.Ltmp4, $4  }
0x22e: {  	[sflag:s24] =	ssyncadd.s32 $0xFFFFF600  }
0x22f: {  	_ =	swait.ge [sflag:s24], $0xA00  }
0x230: {  	[sflag:s24] =	ssyncset.done $0x0  }
0x231: {  	[sflag:s24] =	ssyncadd.s32 $0xFFFFF600  }
0x232: {  	_ =	sfence.sel $0x180000  }
0x233: {  	[bflag:$0x0] =	sbarrier.arrive $0xFFFF  }
0x234: {  	_ =	strace $0x90000047  }
0x235: {  	s0 =	stileid.u32;
	[bflag:$0x2] =	sbarrier.arrive $0xFFFF  }
0x236: {  	p0 =	sne.s32 s0, $0x0;
	s0 =	rddreg [dreg:$0x3]  }
0x237: {  	s0 =	sadd.s32 @!p0 $0x100000, s0  }
0x238: {  	[sflag:s0] =	ssyncadd.tile.s32 @!p0 $0x1;
	_ =	shalt  }
.Lfunc_end2:
_tile_overlayer_lowered:
.L_overlay_start_2:
0x239: {  	(tag) =	ssettag $0x2  }
0x23a: {  	s0 =	rddreg [dreg:$0x0];
	s2 =	stileid.u32  }
0x23b: {  	s1 =	rddreg [dreg:$0x1];
	p0 =	sne.s32 s2, $0x0  }
0x23c: {  	s3 =	rddreg [dreg:$0x2];
	[bflag:$0x3] =	sbarrier.arrive $0xFFFF;
	s2 =	simm.s32 @!p0 $0x1C05  }
0x23d: {  	[timem:s3], [sflag:s2] =	dma.local @!p0 [hbm:s0], s1  }
0x23e: {  	s0 =	simm.s32 @!p0 $0x5  }
0x23f: {  	_ =	swait.ge @!p0 [sflag:s0], s1  }
0x240: {  	s1 =	ssub.s32 @!p0 $0x0, s1;
	[sflag:s0] =	ssyncset.done @!p0 $0x0  }
0x241: {  	[sflag:s0] =	ssyncadd.s32 @!p0 s1  }
0x242: {  	[bflag:$0x3] =	sbarrier.arrive $0xFFFF  }
0x243: {  	_ =	shalt  }

</sc_bundles>
